<compile_context>
chip_gen: v7x
topology: tpu7x:2x2x1
jax: 0.10.2.dev20260603
libtpu: 0.0.44.dev20260713+nightly
codegen_flags: <defaults>
</compile_context>

<pallas_src>
import functools

import jax
import jax.numpy as jnp
from jax import lax
from jax.experimental import pallas as pl
from jax.experimental.pallas import tpu as pltpu
from jax.experimental.pallas import tpu_sc as plsc

BATCH = 16384
A = 26
V = 100000
D = 16
L = 16

NC = 2
NS = 16
NW = NC * NS
NTASK = A * D
TPW = NTASK // NW
BCH = 4096
NBCH = BATCH // BCH
UNROLL = 8


@functools.partial(
    pl.kernel,
    out_type=jax.ShapeDtypeStruct((A, D, BATCH), jnp.float32),
    mesh=plsc.VectorSubcoreMesh(core_axis_name="c", subcore_axis_name="s"),
    compiler_params=pltpu.CompilerParams(
        use_tc_tiling_on_sc=True, needs_layout_passes=False),
    scratch_types=[
        pltpu.VMEM((V,), jnp.float32),
        pltpu.VMEM((BATCH,), jnp.int32),
        pltpu.VMEM((BCH,), jnp.float32),
        pltpu.VMEM((BCH,), jnp.float32),
        pltpu.VMEM((NTASK,), jnp.float32),
        pltpu.VMEM((NTASK,), jnp.float32),
        pltpu.SemaphoreType.DMA,
        pltpu.SemaphoreType.DMA,
        pltpu.SemaphoreType.DMA,
    ],
)
def _sc_tokenize(xt_hbm, tab_hbm, scale_hbm, bias_hbm, out_hbm,
                 rowbuf, xv, outv0, outv1, scale_v, bias_v,
                 sem_row, sem_x, sem_out):
    wid = lax.axis_index("s") * NC + lax.axis_index("c")

    pltpu.sync_copy(scale_hbm, scale_v)
    pltpu.sync_copy(bias_hbm, bias_v)

    def task_body(t, carry):
        task = wid * TPW + t
        i = task // D
        d = task % D
        cp_row = pltpu.async_copy(tab_hbm.at[i, d], rowbuf, sem_row)
        cp_x = pltpu.async_copy(xt_hbm.at[i], xv, sem_x)
        tsplat = jnp.full((L,), task, dtype=jnp.int32)
        s = plsc.load_gather(scale_v, [tsplat])
        b = plsc.load_gather(bias_v, [tsplat])
        cp_row.wait()
        cp_x.wait()

        outcps = []
        bufs = (outv0, outv1)
        for c in range(NBCH):
            buf = bufs[c % 2]
            if c >= 2:
                outcps[c - 2].wait()

            @plsc.parallel_loop(0, BCH // L, unroll=UNROLL)
            def grp(g, c=c, buf=buf):
                o = g * L
                idx = xv[pl.ds(c * BCH + o, L)]
                vals = plsc.load_gather(rowbuf, [idx])
                buf[pl.ds(o, L)] = vals * s + b
            outcps.append(pltpu.async_copy(
                buf, out_hbm.at[i, d, pl.ds(c * BCH, BCH)], sem_out))
        outcps[NBCH - 2].wait()
        outcps[NBCH - 1].wait()
        return carry

    lax.fori_loop(0, TPW, task_body, 0)


def kernel(x, attr_emb, option_tables, prior):
    xt = x.T.astype(jnp.int32)
    tab = option_tables.transpose(0, 2, 1)
    scale = jnp.broadcast_to(prior, (A, D)).astype(jnp.float32).reshape(-1)
    bias = (attr_emb * prior).astype(jnp.float32).reshape(-1)
    out3 = _sc_tokenize(xt, tab, scale, bias)
    return out3.transpose(2, 0, 1)

# --- scband reference (transcript-rebuilt; emitter-appended) ---
"""Pipeline reference for scband-scale-tokenizer-35150012351256 (READ-ONLY COPY).

The authoritative reference and input builder live on the scoring server;
editing this copy changes nothing except your own understanding.
"""

import jax, jax.numpy as jnp
import numpy as np

B = 16384
N_ATTRS = 26
VOCAB = 100000
D = 16

def setup_inputs(seed: int = 0) -> dict:
    key = jax.random.key(seed)
    k1, k2, k3 = jax.random.split(key, 3)
    x = jax.random.randint(k1, (B, N_ATTRS), 0, VOCAB)
    attr_emb = jax.random.normal(k2, (N_ATTRS, D), dtype=jnp.float32)
    # All option_counts are equal, so the 26 per-attribute embedding tables are
    # stacked into a single [N_ATTRS, VOCAB, D] array.
    option_tables = jax.random.normal(k3, (N_ATTRS, VOCAB, D), dtype=jnp.float32)
    prior = jnp.ones((N_ATTRS, 1), dtype=jnp.float32)  # registered buffer, prior_reliability=None
    return {"x": x, "attr_emb": attr_emb, "option_tables": option_tables, "prior": prior}

def reference(x, attr_emb, option_tables, prior):
    # attr_part = attr_emb(attr_idx) expanded over batch: [B, n_attrs, d_model]
    Bx = x.shape[0]
    attr_part = jnp.broadcast_to(attr_emb[None, :, :], (Bx, N_ATTRS, D))
    # val_part: per-attribute embedding lookup, option_embs[i](x[:, i]) stacked on dim 1
    attr_idx = jnp.arange(N_ATTRS)
    val_part = option_tables[attr_idx[None, :], x]  # gather -> [B, n_attrs, d_model]
    tokens = (attr_part + val_part) * prior[None, :, :]
    return tokens

if __name__ == "__main__":
    import jax
    _d = setup_inputs()
    print(jax.jit(kernel)(*tuple(_d.values())))

</pallas_src>

<mosaic_0001>
#map = affine_map<(d0, d1) -> (0, 0)>
#map1 = affine_map<(d0, d1) -> (0, 0, 0)>
#map2 = affine_map<(d0, d1) -> (0)>
module attributes {stable_mosaic.version = 14 : i64} {
  func.func @_sc_tokenize(%arg0: i32, %arg1: i32, %arg2: memref<26x16384xi32, #tpu.memory_space<hbm>>, %arg3: memref<26x16x100000xf32, #tpu.memory_space<hbm>>, %arg4: memref<416xf32, #tpu.memory_space<hbm>>, %arg5: memref<416xf32, #tpu.memory_space<hbm>>, %arg6: memref<26x16x16384xf32, #tpu.memory_space<hbm>>, %arg7: memref<100000xf32, #tpu.memory_space<vmem>>, %arg8: memref<16384xi32, #tpu.memory_space<vmem>>, %arg9: memref<4096xf32, #tpu.memory_space<vmem>>, %arg10: memref<4096xf32, #tpu.memory_space<vmem>>, %arg11: memref<416xf32, #tpu.memory_space<vmem>>, %arg12: memref<416xf32, #tpu.memory_space<vmem>>, %arg13: memref<!tpu.dma_semaphore, #tpu.memory_space<semaphore_mem>>, %arg14: memref<!tpu.dma_semaphore, #tpu.memory_space<semaphore_mem>>, %arg15: memref<!tpu.dma_semaphore, #tpu.memory_space<semaphore_mem>>) attributes {dimension_semantics = [#tpu.dimension_semantics<core_parallel>, #tpu.dimension_semantics<subcore_parallel>], iteration_bounds = array<i64: 2, 16>, scalar_prefetch = 0 : i64, scratch_operands = 9 : i64, tpu.core_type = #tpu.core_type<sc_vector_subcore>, window_params = [{transform_indices = #map}, {transform_indices = #map1}, {transform_indices = #map2}, {transform_indices = #map2}, {transform_indices = #map1}]} {
    %mul3A = arith.constant 2 : i32
    %mul3A_0 = arith.muli %arg1, %mul3A : i32
    %add3A = arith.addi %mul3A_0, %arg0 : i32
    "tpu.region"() ({
      %run_scoped3A = tpu.sem_alloc : memref<!tpu.dma_semaphore, #tpu.memory_space<semaphore_mem>>
      tpu.enqueue_dma source(%arg4 : memref<416xf32, #tpu.memory_space<hbm>>) target(%arg11 : memref<416xf32, #tpu.memory_space<vmem>>) target_semaphore(%run_scoped3A : memref<!tpu.dma_semaphore, #tpu.memory_space<semaphore_mem>>)
      tpu.wait_dma2 semaphore(%run_scoped3A : memref<!tpu.dma_semaphore, #tpu.memory_space<semaphore_mem>>) src(%arg4 : memref<416xf32, #tpu.memory_space<hbm>>) dst(%arg11 : memref<416xf32, #tpu.memory_space<vmem>>)
      tpu.yield
    }) : () -> ()
    "tpu.region"() ({
      %run_scoped3A = tpu.sem_alloc : memref<!tpu.dma_semaphore, #tpu.memory_space<semaphore_mem>>
      tpu.enqueue_dma source(%arg5 : memref<416xf32, #tpu.memory_space<hbm>>) target(%arg12 : memref<416xf32, #tpu.memory_space<vmem>>) target_semaphore(%run_scoped3A : memref<!tpu.dma_semaphore, #tpu.memory_space<semaphore_mem>>)
      tpu.wait_dma2 semaphore(%run_scoped3A : memref<!tpu.dma_semaphore, #tpu.memory_space<semaphore_mem>>) src(%arg5 : memref<416xf32, #tpu.memory_space<hbm>>) dst(%arg12 : memref<416xf32, #tpu.memory_space<vmem>>)
      tpu.yield
    }) : () -> ()
    %scan3A = arith.constant 0 : i32
    %scan3A_1 = arith.constant 0 : i32
    %scan3A_2 = arith.constant 13 : i32
    %scan3A_3 = arith.addi %scan3A_1, %scan3A_2 : i32
    %scan3A_4 = arith.constant 1 : i32
    scf.for %scan3A_6 = %scan3A_1 to %scan3A_3 step %scan3A_4  : i32 {
      %mul3A_7 = arith.constant 13 : i32
      %mul3A_8 = arith.muli %add3A, %mul3A_7 : i32
      %add3A_9 = arith.addi %mul3A_8, %scan3A_6 : i32
      %jit3A = arith.constant 16 : i32
      %div3A = arith.divsi %add3A_9, %jit3A : i32
      %sign3A = arith.constant 0 : i32
      %sign3A_10 = arith.cmpi sgt, %add3A_9, %sign3A : i32
      %sign3A_11 = arith.extui %sign3A_10 : i1 to i32
      %sign3A_12 = arith.constant 0 : i32
      %sign3A_13 = arith.cmpi slt, %add3A_9, %sign3A_12 : i32
      %sign3A_14 = arith.extui %sign3A_13 : i1 to i32
      %sign3A_15 = arith.subi %sign3A_11, %sign3A_14 : i32
      %sign3A_16 = arith.constant 0 : i32
      %sign3A_17 = arith.cmpi sgt, %jit3A, %sign3A_16 : i32
      %sign3A_18 = arith.extui %sign3A_17 : i1 to i32
      %sign3A_19 = arith.constant 0 : i32
      %sign3A_20 = arith.cmpi slt, %jit3A, %sign3A_19 : i32
      %sign3A_21 = arith.extui %sign3A_20 : i1 to i32
      %sign3A_22 = arith.subi %sign3A_18, %sign3A_21 : i32
      %ne3A = arith.cmpi ne, %sign3A_15, %sign3A_22 : i32
      %rem3A = arith.remsi %add3A_9, %jit3A : i32
      %ne3A_23 = arith.constant 0 : i32
      %ne3A_24 = arith.cmpi ne, %rem3A, %ne3A_23 : i32
      %and3A = arith.andi %ne3A, %ne3A_24 : i1
      %sub3A = arith.constant 1 : i32
      %sub3A_25 = arith.subi %div3A, %sub3A : i32
      %select_n3A = arith.select %and3A, %sub3A_25, %div3A : i32
      %jit3A_26 = arith.constant 16 : i32
      %eq3A = arith.constant 0 : i32
      %eq3A_27 = arith.cmpi eq, %jit3A_26, %eq3A : i32
      %jit3A_28 = arith.constant 1 : i32
      %select_n3A_29 = arith.select %eq3A_27, %jit3A_28, %jit3A_26 : i32
      %rem3A_30 = arith.remsi %add3A_9, %select_n3A_29 : i32
      %ne3A_31 = arith.constant 0 : i32
      %ne3A_32 = arith.cmpi ne, %rem3A_30, %ne3A_31 : i32
      %lt3A = arith.constant 0 : i32
      %lt3A_33 = arith.cmpi slt, %rem3A_30, %lt3A : i32
      %lt3A_34 = arith.constant 0 : i32
      %lt3A_35 = arith.cmpi slt, %select_n3A_29, %lt3A_34 : i32
      %ne3A_36 = arith.xori %lt3A_33, %lt3A_35 : i1
      %and3A_37 = arith.andi %ne3A_36, %ne3A_32 : i1
      %add3A_38 = arith.addi %rem3A_30, %select_n3A_29 : i32
      %select_n3A_39 = arith.select %and3A_37, %add3A_38, %rem3A_30 : i32
      %dma_start3A = arith.constant 0 : i32
      %dma_start3A_40 = tpu.memref_slice %arg3[%select_n3A, %select_n3A_39, %dma_start3A] : memref<26x16x100000xf32, #tpu.memory_space<hbm>> -> memref<1x1x100000xf32, #tpu.memory_space<hbm>>
      %dma_start3A_41 = tpu.memref_squeeze %dma_start3A_40 : memref<1x1x100000xf32, #tpu.memory_space<hbm>> -> memref<100000xf32, #tpu.memory_space<hbm>>
      %dma_start3A_42 = arith.constant 0 : i32
      %dma_start3A_43 = tpu.memref_slice %arg3[%select_n3A, %select_n3A_39, %dma_start3A_42] : memref<26x16x100000xf32, #tpu.memory_space<hbm>> -> memref<1x1x100000xf32, #tpu.memory_space<hbm>>
      %dma_start3A_44 = tpu.memref_squeeze %dma_start3A_43 : memref<1x1x100000xf32, #tpu.memory_space<hbm>> -> memref<100000xf32, #tpu.memory_space<hbm>>
      tpu.enqueue_dma source(%dma_start3A_44 : memref<100000xf32, #tpu.memory_space<hbm>>) target(%arg7 : memref<100000xf32, #tpu.memory_space<vmem>>) target_semaphore(%arg13 : memref<!tpu.dma_semaphore, #tpu.memory_space<semaphore_mem>>)
      %dma_start3A_45 = arith.constant 0 : i32
      %dma_start3A_46 = tpu.memref_slice %arg2[%select_n3A, %dma_start3A_45] : memref<26x16384xi32, #tpu.memory_space<hbm>> -> memref<1x16384xi32, #tpu.memory_space<hbm>>
      %dma_start3A_47 = tpu.memref_squeeze %dma_start3A_46 : memref<1x16384xi32, #tpu.memory_space<hbm>> -> memref<16384xi32, #tpu.memory_space<hbm>>
      %dma_start3A_48 = arith.constant 0 : i32
      %dma_start3A_49 = tpu.memref_slice %arg2[%select_n3A, %dma_start3A_48] : memref<26x16384xi32, #tpu.memory_space<hbm>> -> memref<1x16384xi32, #tpu.memory_space<hbm>>
      %dma_start3A_50 = tpu.memref_squeeze %dma_start3A_49 : memref<1x16384xi32, #tpu.memory_space<hbm>> -> memref<16384xi32, #tpu.memory_space<hbm>>
      tpu.enqueue_dma source(%dma_start3A_50 : memref<16384xi32, #tpu.memory_space<hbm>>) target(%arg8 : memref<16384xi32, #tpu.memory_space<vmem>>) target_semaphore(%arg14 : memref<!tpu.dma_semaphore, #tpu.memory_space<semaphore_mem>>)
      %broadcast_in_dim3A = vector.broadcast %add3A_9 : i32 to vector<16xi32>
      %gather3A = tpu.vector_load_idx %arg11[%broadcast_in_dim3A] : memref<416xf32, #tpu.memory_space<vmem>>[vector<16xi32>], vector<16xf32>,
      %gather3A_51 = tpu.vector_load_idx %arg12[%broadcast_in_dim3A] : memref<416xf32, #tpu.memory_space<vmem>>[vector<16xi32>], vector<16xf32>,
      %dma_wait3A = arith.constant 0 : i32
      %dma_wait3A_52 = tpu.memref_slice %arg3[%select_n3A, %select_n3A_39, %dma_wait3A] : memref<26x16x100000xf32, #tpu.memory_space<hbm>> -> memref<1x1x100000xf32, #tpu.memory_space<hbm>>
      %dma_wait3A_53 = tpu.memref_squeeze %dma_wait3A_52 : memref<1x1x100000xf32, #tpu.memory_space<hbm>> -> memref<100000xf32, #tpu.memory_space<hbm>>
      %dma_wait3A_54 = arith.constant 0 : i32
      %dma_wait3A_55 = tpu.memref_slice %arg3[%select_n3A, %select_n3A_39, %dma_wait3A_54] : memref<26x16x100000xf32, #tpu.memory_space<hbm>> -> memref<1x1x100000xf32, #tpu.memory_space<hbm>>
      %dma_wait3A_56 = tpu.memref_squeeze %dma_wait3A_55 : memref<1x1x100000xf32, #tpu.memory_space<hbm>> -> memref<100000xf32, #tpu.memory_space<hbm>>
      tpu.wait_dma2 semaphore(%arg13 : memref<!tpu.dma_semaphore, #tpu.memory_space<semaphore_mem>>) src(%dma_wait3A_56 : memref<100000xf32, #tpu.memory_space<hbm>>) dst(%arg7 : memref<100000xf32, #tpu.memory_space<vmem>>)
      %dma_wait3A_57 = arith.constant 0 : i32
      %dma_wait3A_58 = tpu.memref_slice %arg2[%select_n3A, %dma_wait3A_57] : memref<26x16384xi32, #tpu.memory_space<hbm>> -> memref<1x16384xi32, #tpu.memory_space<hbm>>
      %dma_wait3A_59 = tpu.memref_squeeze %dma_wait3A_58 : memref<1x16384xi32, #tpu.memory_space<hbm>> -> memref<16384xi32, #tpu.memory_space<hbm>>
      %dma_wait3A_60 = arith.constant 0 : i32
      %dma_wait3A_61 = tpu.memref_slice %arg2[%select_n3A, %dma_wait3A_60] : memref<26x16384xi32, #tpu.memory_space<hbm>> -> memref<1x16384xi32, #tpu.memory_space<hbm>>
      %dma_wait3A_62 = tpu.memref_squeeze %dma_wait3A_61 : memref<1x16384xi32, #tpu.memory_space<hbm>> -> memref<16384xi32, #tpu.memory_space<hbm>>
      tpu.wait_dma2 semaphore(%arg14 : memref<!tpu.dma_semaphore, #tpu.memory_space<semaphore_mem>>) src(%dma_wait3A_62 : memref<16384xi32, #tpu.memory_space<hbm>>) dst(%arg8 : memref<16384xi32, #tpu.memory_space<vmem>>)
      %parallel_loop3A = arith.constant 0 : i32
      %parallel_loop3A_63 = arith.constant 256 : i32
      %parallel_loop3A_64 = arith.constant 1 : i32
      scf.for %parallel_loop3A_122 = %parallel_loop3A to %parallel_loop3A_63 step %parallel_loop3A_64  : i32 {
        %parallel_loop3A_123 = arith.constant 16 : i32
        %parallel_loop3A_124 = arith.muli %parallel_loop3A_122, %parallel_loop3A_123 : i32
        %parallel_loop3A_125 = arith.constant 0 : i32
        %parallel_loop3A_126 = arith.addi %parallel_loop3A_125, %parallel_loop3A_124 : i32
        %parallel_loop3A_127 = arith.index_cast %parallel_loop3A_126 : i32 to index
        %parallel_loop3A_128 = tpu.vector_load %arg8[%parallel_loop3A_127] {strides = array<i32>} : memref<16384xi32, #tpu.memory_space<vmem>>, vector<16xi32>,
        %parallel_loop3A_129 = tpu.vector_load_idx %arg7[%parallel_loop3A_128] : memref<100000xf32, #tpu.memory_space<vmem>>[vector<16xi32>], vector<16xf32>,
        %parallel_loop3A_130 = arith.mulf %parallel_loop3A_129, %gather3A : vector<16xf32>
        %parallel_loop3A_131 = arith.addf %parallel_loop3A_130, %gather3A_51 : vector<16xf32>
        %parallel_loop3A_132 = arith.index_cast %parallel_loop3A_124 : i32 to index
        %parallel_loop3A_133 = tpu.vector_load %arg9[%parallel_loop3A_132] {strides = array<i32>} : memref<4096xf32, #tpu.memory_space<vmem>>, vector<16xf32>,
        tpu.vector_store %arg9[%parallel_loop3A_132], %parallel_loop3A_131 {strides = array<i32>} : memref<4096xf32, #tpu.memory_space<vmem>>, vector<16xf32>,
      } {sc.loop_unroll_factor = 8 : i64, sc.parallel_access}
      %dma_start3A_65 = arith.constant 0 : i32
      %dma_start3A_66 = tpu.memref_slice %arg6[%select_n3A, %select_n3A_39, %dma_start3A_65] : memref<26x16x16384xf32, #tpu.memory_space<hbm>> -> memref<1x1x4096xf32, #tpu.memory_space<hbm>>
      %dma_start3A_67 = tpu.memref_squeeze %dma_start3A_66 : memref<1x1x4096xf32, #tpu.memory_space<hbm>> -> memref<4096xf32, #tpu.memory_space<hbm>>
      %dma_start3A_68 = arith.constant 0 : i32
      %dma_start3A_69 = tpu.memref_slice %arg6[%select_n3A, %select_n3A_39, %dma_start3A_68] : memref<26x16x16384xf32, #tpu.memory_space<hbm>> -> memref<1x1x4096xf32, #tpu.memory_space<hbm>>
      %dma_start3A_70 = tpu.memref_squeeze %dma_start3A_69 : memref<1x1x4096xf32, #tpu.memory_space<hbm>> -> memref<4096xf32, #tpu.memory_space<hbm>>
      tpu.enqueue_dma source(%arg9 : memref<4096xf32, #tpu.memory_space<vmem>>) target(%dma_start3A_70 : memref<4096xf32, #tpu.memory_space<hbm>>) target_semaphore(%arg15 : memref<!tpu.dma_semaphore, #tpu.memory_space<semaphore_mem>>)
      %parallel_loop3A_71 = arith.constant 0 : i32
      %parallel_loop3A_72 = arith.constant 256 : i32
      %parallel_loop3A_73 = arith.constant 1 : i32
      scf.for %parallel_loop3A_122 = %parallel_loop3A_71 to %parallel_loop3A_72 step %parallel_loop3A_73  : i32 {
        %parallel_loop3A_123 = arith.constant 16 : i32
        %parallel_loop3A_124 = arith.muli %parallel_loop3A_122, %parallel_loop3A_123 : i32
        %parallel_loop3A_125 = arith.constant 4096 : i32
        %parallel_loop3A_126 = arith.addi %parallel_loop3A_125, %parallel_loop3A_124 : i32
        %parallel_loop3A_127 = arith.index_cast %parallel_loop3A_126 : i32 to index
        %parallel_loop3A_128 = tpu.vector_load %arg8[%parallel_loop3A_127] {strides = array<i32>} : memref<16384xi32, #tpu.memory_space<vmem>>, vector<16xi32>,
        %parallel_loop3A_129 = tpu.vector_load_idx %arg7[%parallel_loop3A_128] : memref<100000xf32, #tpu.memory_space<vmem>>[vector<16xi32>], vector<16xf32>,
        %parallel_loop3A_130 = arith.mulf %parallel_loop3A_129, %gather3A : vector<16xf32>
        %parallel_loop3A_131 = arith.addf %parallel_loop3A_130, %gather3A_51 : vector<16xf32>
        %parallel_loop3A_132 = arith.index_cast %parallel_loop3A_124 : i32 to index
        %parallel_loop3A_133 = tpu.vector_load %arg10[%parallel_loop3A_132] {strides = array<i32>} : memref<4096xf32, #tpu.memory_space<vmem>>, vector<16xf32>,
        tpu.vector_store %arg10[%parallel_loop3A_132], %parallel_loop3A_131 {strides = array<i32>} : memref<4096xf32, #tpu.memory_space<vmem>>, vector<16xf32>,
      } {sc.loop_unroll_factor = 8 : i64, sc.parallel_access}
      %dma_start3A_74 = arith.constant 4096 : i32
      %dma_start3A_75 = tpu.memref_slice %arg6[%select_n3A, %select_n3A_39, %dma_start3A_74] : memref<26x16x16384xf32, #tpu.memory_space<hbm>> -> memref<1x1x4096xf32, #tpu.memory_space<hbm>>
      %dma_start3A_76 = tpu.memref_squeeze %dma_start3A_75 : memref<1x1x4096xf32, #tpu.memory_space<hbm>> -> memref<4096xf32, #tpu.memory_space<hbm>>
      %dma_start3A_77 = arith.constant 4096 : i32
      %dma_start3A_78 = tpu.memref_slice %arg6[%select_n3A, %select_n3A_39, %dma_start3A_77] : memref<26x16x16384xf32, #tpu.memory_space<hbm>> -> memref<1x1x4096xf32, #tpu.memory_space<hbm>>
      %dma_start3A_79 = tpu.memref_squeeze %dma_start3A_78 : memref<1x1x4096xf32, #tpu.memory_space<hbm>> -> memref<4096xf32, #tpu.memory_space<hbm>>
      tpu.enqueue_dma source(%arg10 : memref<4096xf32, #tpu.memory_space<vmem>>) target(%dma_start3A_79 : memref<4096xf32, #tpu.memory_space<hbm>>) target_semaphore(%arg15 : memref<!tpu.dma_semaphore, #tpu.memory_space<semaphore_mem>>)
      %dma_wait3A_80 = arith.constant 0 : i32
      %dma_wait3A_81 = tpu.memref_slice %arg6[%select_n3A, %select_n3A_39, %dma_wait3A_80] : memref<26x16x16384xf32, #tpu.memory_space<hbm>> -> memref<1x1x4096xf32, #tpu.memory_space<hbm>>
      %dma_wait3A_82 = tpu.memref_squeeze %dma_wait3A_81 : memref<1x1x4096xf32, #tpu.memory_space<hbm>> -> memref<4096xf32, #tpu.memory_space<hbm>>
      %dma_wait3A_83 = arith.constant 0 : i32
      %dma_wait3A_84 = tpu.memref_slice %arg6[%select_n3A, %select_n3A_39, %dma_wait3A_83] : memref<26x16x16384xf32, #tpu.memory_space<hbm>> -> memref<1x1x4096xf32, #tpu.memory_space<hbm>>
      %dma_wait3A_85 = tpu.memref_squeeze %dma_wait3A_84 : memref<1x1x4096xf32, #tpu.memory_space<hbm>> -> memref<4096xf32, #tpu.memory_space<hbm>>
      tpu.wait_dma2 semaphore(%arg15 : memref<!tpu.dma_semaphore, #tpu.memory_space<semaphore_mem>>) src(%arg9 : memref<4096xf32, #tpu.memory_space<vmem>>) dst(%dma_wait3A_85 : memref<4096xf32, #tpu.memory_space<hbm>>)
      %parallel_loop3A_86 = arith.constant 0 : i32
      %parallel_loop3A_87 = arith.constant 256 : i32
      %parallel_loop3A_88 = arith.constant 1 : i32
      scf.for %parallel_loop3A_122 = %parallel_loop3A_86 to %parallel_loop3A_87 step %parallel_loop3A_88  : i32 {
        %parallel_loop3A_123 = arith.constant 16 : i32
        %parallel_loop3A_124 = arith.muli %parallel_loop3A_122, %parallel_loop3A_123 : i32
        %parallel_loop3A_125 = arith.constant 8192 : i32
        %parallel_loop3A_126 = arith.addi %parallel_loop3A_125, %parallel_loop3A_124 : i32
        %parallel_loop3A_127 = arith.index_cast %parallel_loop3A_126 : i32 to index
        %parallel_loop3A_128 = tpu.vector_load %arg8[%parallel_loop3A_127] {strides = array<i32>} : memref<16384xi32, #tpu.memory_space<vmem>>, vector<16xi32>,
        %parallel_loop3A_129 = tpu.vector_load_idx %arg7[%parallel_loop3A_128] : memref<100000xf32, #tpu.memory_space<vmem>>[vector<16xi32>], vector<16xf32>,
        %parallel_loop3A_130 = arith.mulf %parallel_loop3A_129, %gather3A : vector<16xf32>
        %parallel_loop3A_131 = arith.addf %parallel_loop3A_130, %gather3A_51 : vector<16xf32>
        %parallel_loop3A_132 = arith.index_cast %parallel_loop3A_124 : i32 to index
        %parallel_loop3A_133 = tpu.vector_load %arg9[%parallel_loop3A_132] {strides = array<i32>} : memref<4096xf32, #tpu.memory_space<vmem>>, vector<16xf32>,
        tpu.vector_store %arg9[%parallel_loop3A_132], %parallel_loop3A_131 {strides = array<i32>} : memref<4096xf32, #tpu.memory_space<vmem>>, vector<16xf32>,
      } {sc.loop_unroll_factor = 8 : i64, sc.parallel_access}
      %dma_start3A_89 = arith.constant 8192 : i32
      %dma_start3A_90 = tpu.memref_slice %arg6[%select_n3A, %select_n3A_39, %dma_start3A_89] : memref<26x16x16384xf32, #tpu.memory_space<hbm>> -> memref<1x1x4096xf32, #tpu.memory_space<hbm>>
      %dma_start3A_91 = tpu.memref_squeeze %dma_start3A_90 : memref<1x1x4096xf32, #tpu.memory_space<hbm>> -> memref<4096xf32, #tpu.memory_space<hbm>>
      %dma_start3A_92 = arith.constant 8192 : i32
      %dma_start3A_93 = tpu.memref_slice %arg6[%select_n3A, %select_n3A_39, %dma_start3A_92] : memref<26x16x16384xf32, #tpu.memory_space<hbm>> -> memref<1x1x4096xf32, #tpu.memory_space<hbm>>
      %dma_start3A_94 = tpu.memref_squeeze %dma_start3A_93 : memref<1x1x4096xf32, #tpu.memory_space<hbm>> -> memref<4096xf32, #tpu.memory_space<hbm>>
      tpu.enqueue_dma source(%arg9 : memref<4096xf32, #tpu.memory_space<vmem>>) target(%dma_start3A_94 : memref<4096xf32, #tpu.memory_space<hbm>>) target_semaphore(%arg15 : memref<!tpu.dma_semaphore, #tpu.memory_space<semaphore_mem>>)
      %dma_wait3A_95 = arith.constant 4096 : i32
      %dma_wait3A_96 = tpu.memref_slice %arg6[%select_n3A, %select_n3A_39, %dma_wait3A_95] : memref<26x16x16384xf32, #tpu.memory_space<hbm>> -> memref<1x1x4096xf32, #tpu.memory_space<hbm>>
      %dma_wait3A_97 = tpu.memref_squeeze %dma_wait3A_96 : memref<1x1x4096xf32, #tpu.memory_space<hbm>> -> memref<4096xf32, #tpu.memory_space<hbm>>
      %dma_wait3A_98 = arith.constant 4096 : i32
      %dma_wait3A_99 = tpu.memref_slice %arg6[%select_n3A, %select_n3A_39, %dma_wait3A_98] : memref<26x16x16384xf32, #tpu.memory_space<hbm>> -> memref<1x1x4096xf32, #tpu.memory_space<hbm>>
      %dma_wait3A_100 = tpu.memref_squeeze %dma_wait3A_99 : memref<1x1x4096xf32, #tpu.memory_space<hbm>> -> memref<4096xf32, #tpu.memory_space<hbm>>
      tpu.wait_dma2 semaphore(%arg15 : memref<!tpu.dma_semaphore, #tpu.memory_space<semaphore_mem>>) src(%arg10 : memref<4096xf32, #tpu.memory_space<vmem>>) dst(%dma_wait3A_100 : memref<4096xf32, #tpu.memory_space<hbm>>)
      %parallel_loop3A_101 = arith.constant 0 : i32
      %parallel_loop3A_102 = arith.constant 256 : i32
      %parallel_loop3A_103 = arith.constant 1 : i32
      scf.for %parallel_loop3A_122 = %parallel_loop3A_101 to %parallel_loop3A_102 step %parallel_loop3A_103  : i32 {
        %parallel_loop3A_123 = arith.constant 16 : i32
        %parallel_loop3A_124 = arith.muli %parallel_loop3A_122, %parallel_loop3A_123 : i32
        %parallel_loop3A_125 = arith.constant 12288 : i32
        %parallel_loop3A_126 = arith.addi %parallel_loop3A_125, %parallel_loop3A_124 : i32
        %parallel_loop3A_127 = arith.index_cast %parallel_loop3A_126 : i32 to index
        %parallel_loop3A_128 = tpu.vector_load %arg8[%parallel_loop3A_127] {strides = array<i32>} : memref<16384xi32, #tpu.memory_space<vmem>>, vector<16xi32>,
        %parallel_loop3A_129 = tpu.vector_load_idx %arg7[%parallel_loop3A_128] : memref<100000xf32, #tpu.memory_space<vmem>>[vector<16xi32>], vector<16xf32>,
        %parallel_loop3A_130 = arith.mulf %parallel_loop3A_129, %gather3A : vector<16xf32>
        %parallel_loop3A_131 = arith.addf %parallel_loop3A_130, %gather3A_51 : vector<16xf32>
        %parallel_loop3A_132 = arith.index_cast %parallel_loop3A_124 : i32 to index
        %parallel_loop3A_133 = tpu.vector_load %arg10[%parallel_loop3A_132] {strides = array<i32>} : memref<4096xf32, #tpu.memory_space<vmem>>, vector<16xf32>,
        tpu.vector_store %arg10[%parallel_loop3A_132], %parallel_loop3A_131 {strides = array<i32>} : memref<4096xf32, #tpu.memory_space<vmem>>, vector<16xf32>,
      } {sc.loop_unroll_factor = 8 : i64, sc.parallel_access}
      %dma_start3A_104 = arith.constant 12288 : i32
      %dma_start3A_105 = tpu.memref_slice %arg6[%select_n3A, %select_n3A_39, %dma_start3A_104] : memref<26x16x16384xf32, #tpu.memory_space<hbm>> -> memref<1x1x4096xf32, #tpu.memory_space<hbm>>
      %dma_start3A_106 = tpu.memref_squeeze %dma_start3A_105 : memref<1x1x4096xf32, #tpu.memory_space<hbm>> -> memref<4096xf32, #tpu.memory_space<hbm>>
      %dma_start3A_107 = arith.constant 12288 : i32
      %dma_start3A_108 = tpu.memref_slice %arg6[%select_n3A, %select_n3A_39, %dma_start3A_107] : memref<26x16x16384xf32, #tpu.memory_space<hbm>> -> memref<1x1x4096xf32, #tpu.memory_space<hbm>>
      %dma_start3A_109 = tpu.memref_squeeze %dma_start3A_108 : memref<1x1x4096xf32, #tpu.memory_space<hbm>> -> memref<4096xf32, #tpu.memory_space<hbm>>
      tpu.enqueue_dma source(%arg10 : memref<4096xf32, #tpu.memory_space<vmem>>) target(%dma_start3A_109 : memref<4096xf32, #tpu.memory_space<hbm>>) target_semaphore(%arg15 : memref<!tpu.dma_semaphore, #tpu.memory_space<semaphore_mem>>)
      %dma_wait3A_110 = arith.constant 8192 : i32
      %dma_wait3A_111 = tpu.memref_slice %arg6[%select_n3A, %select_n3A_39, %dma_wait3A_110] : memref<26x16x16384xf32, #tpu.memory_space<hbm>> -> memref<1x1x4096xf32, #tpu.memory_space<hbm>>
      %dma_wait3A_112 = tpu.memref_squeeze %dma_wait3A_111 : memref<1x1x4096xf32, #tpu.memory_space<hbm>> -> memref<4096xf32, #tpu.memory_space<hbm>>
      %dma_wait3A_113 = arith.constant 8192 : i32
      %dma_wait3A_114 = tpu.memref_slice %arg6[%select_n3A, %select_n3A_39, %dma_wait3A_113] : memref<26x16x16384xf32, #tpu.memory_space<hbm>> -> memref<1x1x4096xf32, #tpu.memory_space<hbm>>
      %dma_wait3A_115 = tpu.memref_squeeze %dma_wait3A_114 : memref<1x1x4096xf32, #tpu.memory_space<hbm>> -> memref<4096xf32, #tpu.memory_space<hbm>>
      tpu.wait_dma2 semaphore(%arg15 : memref<!tpu.dma_semaphore, #tpu.memory_space<semaphore_mem>>) src(%arg9 : memref<4096xf32, #tpu.memory_space<vmem>>) dst(%dma_wait3A_115 : memref<4096xf32, #tpu.memory_space<hbm>>)
      %dma_wait3A_116 = arith.constant 12288 : i32
      %dma_wait3A_117 = tpu.memref_slice %arg6[%select_n3A, %select_n3A_39, %dma_wait3A_116] : memref<26x16x16384xf32, #tpu.memory_space<hbm>> -> memref<1x1x4096xf32, #tpu.memory_space<hbm>>
      %dma_wait3A_118 = tpu.memref_squeeze %dma_wait3A_117 : memref<1x1x4096xf32, #tpu.memory_space<hbm>> -> memref<4096xf32, #tpu.memory_space<hbm>>
      %dma_wait3A_119 = arith.constant 12288 : i32
      %dma_wait3A_120 = tpu.memref_slice %arg6[%select_n3A, %select_n3A_39, %dma_wait3A_119] : memref<26x16x16384xf32, #tpu.memory_space<hbm>> -> memref<1x1x4096xf32, #tpu.memory_space<hbm>>
      %dma_wait3A_121 = tpu.memref_squeeze %dma_wait3A_120 : memref<1x1x4096xf32, #tpu.memory_space<hbm>> -> memref<4096xf32, #tpu.memory_space<hbm>>
      tpu.wait_dma2 semaphore(%arg15 : memref<!tpu.dma_semaphore, #tpu.memory_space<semaphore_mem>>) src(%arg10 : memref<4096xf32, #tpu.memory_space<vmem>>) dst(%dma_wait3A_121 : memref<4096xf32, #tpu.memory_space<hbm>>)
    }
    %scan3A_5 = arith.constant 13 : i32
    return
  }
}

</mosaic_0001>

<sc_bundles>
// kernel: kernel.3.cloned.1.call-start
scs
__scs_entry_jumppad:
0x0: {  	(pc) =	sbr.rel $0x88, $3  }
0x1: {  	(tag) =	ssettag $0x0;
	lr =	simm.s32 $0x1  }
0x2: {  	[smem:$0x3F9D] =	sst lr;
	_ =	strace $0xD0000000  }
0x3: {  	_ = 	snop  }
0x4: {  	_ = 	snop  }
0x5: {  	_ = 	snop  }
0x6: {  	_ = 	snop  }
0x7: {  	_ = 	snop  }
__scs_overlays_trampoline_lowered:
0x8: {  	[smem:$0x3FAC] =	sst s0  }
0x9: {  	[smem:$0x3FAD] =	sst s1  }
0xa: {  	[smem:$0x3FAE] =	sst s2  }
0xb: {  	[smem:$0x3FAF] =	sst s3  }
0xc: {  	[smem:$0x3FB0] =	sst s4  }
0xd: {  	[smem:$0x3FB1] =	sst s5  }
0xe: {  	[smem:$0x3FB2] =	sst s6  }
0xf: {  	[smem:$0x3FB3] =	sst s7  }
0x10: {  	[smem:$0x3FB4] =	sst s8  }
0x11: {  	[smem:$0x3FB5] =	sst s9;
	s0 =	simm.s32 @!p0 $0x0  }
0x12: {  	s1 =	sld [smem:$0x3F9B];
	s0 =	simm.s32 @p0 $0x1  }
0x13: {  	[smem:$0x3FB6] =	sst s0;
	s0 =	simm.s32 @!p1 $0x0  }
0x14: {  	s2 =	sld [smem:$0x3F9A];
	s0 =	simm.s32 @p1 $0x1  }
0x15: {  	[smem:$0x3FB7] =	sst s0;
	s0 =	simm.s32 @!p2 $0x0  }
0x16: {  	s3 =	sld [smem:$0x3FDB];
	s0 =	simm.s32 @p2 $0x1  }
0x17: {  	s4 =	simm.s32 $0x1BF5;
	[smem:$0x3FB9] =	sst s0  }
0x18: {  	s0 =	sld [smem:$0x3F9C];
	_ =	swait.ge [sflag:s4], $0x0  }
0x19: {  	s7 =	sld [smem:$0x3F9D]  }
0x1a: {  	s8 =	sadd.s32 $0xFFFFE003, lr  }
0x1b: {  	s9 =	sadd.s32 $0xFFFFFEF7, lr;
	s5 =	simm.s32 $0xFFFFFFFF;
	p2 =	slt.u32 s8, $0xFFFFF086  }
0x1c: {  	p1 =	slt.u32 s9, $0xF7A;
	s5 =	simm.s32 @!p2 $0x0  }
0x1d: {  	s5 =	simm.s32 @p1 $0x1;
	p0 =	seq.s32 s7, s2  }
0x1e: {  	s7 =	smul.u32 @!p0 $0xF7A, s2;
	p2 =	seq.s32 @!p0 s5, $0x0  }
0x1f: {  	s9 =	smul.u32 $0xF7A, s1;
	s8 =	simm.s32 @!p0 $0x1BF5;
	p2 =	por !p2, p0  }
0x20: {  	[sflag:s8] =	ssyncset.s32 @!p0 $0xFFFFF086;
	s6 =	sadd.s32 @!p0 s3, s7;
	s7 =	simm.s32 @!p0 $0x108  }
0x21: {  	s3 =	sadd.s32 s3, s9;
	s6 =	sadd.s32 @!p0 $0x88, s6;
	s7 =	simm.s32 @p2 $0x1082  }
0x22: {  	[simem:s7], [sflag:s8] =	dma.local @!p0 [hbm:s6], $0xF7A  }
0x23: {  	s9 =	sor.u32 $0xD0000000, s2;
	s6 =	simm.s32 $0x108;
	_ =	swait.ge @!p0 [sflag:s8], $0x0  }
0x24: {  	s3 =	sadd.s32 $0x88, s3;
	s6 =	simm.s32 @!p1 $0x1082;
	[sflag:s4] =	ssyncset.s32 $0xFFFFF086  }
0x25: {  	[simem:s6], [sflag:s4] =	dma.local [hbm:s3], $0xF7A  }
0x26: {  	[smem:$0x3F9D] =	sst s1;
	(tag) =	ssettag s2;
	_ =	strace s9  }
0x27: {  	s1 =	sld [smem:$0x3FAD]  }
0x28: {  	s2 =	sld [smem:$0x3FAE]  }
0x29: {  	s4 =	sld [smem:$0x3FB0]  }
0x2a: {  	p0 =	seq.s32 s5, $0x0;
	s5 =	sld [smem:$0x3FB1]  }
0x2b: {  	s6 =	sld [smem:$0x3FB2]  }
0x2c: {  	s7 =	sld [smem:$0x3FB3]  }
0x2d: {  	s3 =	simm.s32 $0x108;
	s8 =	sld [smem:$0x3FB4]  }
0x2e: {  	s3 =	simm.s32 @!p0 $0x1082;
	s9 =	sld [smem:$0x3FB5]  }
0x2f: {  	lr =	sadd.s32 s0, s3;
	s0 =	sld [smem:$0x3FAC]  }
0x30: {  	s3 =	sld [smem:$0x3FAF]  }
0x31: {  	[smem:$0x3FB8] =	sst s10  }
0x32: {  	s10 =	sld [smem:$0x3FB6];
	_ =	sdelay $0x3  }
0x33: {  	p0 =	seq.s32 s10, $0x1;
	s10 =	sld [smem:$0x3FB8];
	_ =	sdelay $0x3  }
0x34: {  	[smem:$0x3FB8] =	sst s10  }
0x35: {  	s10 =	sld [smem:$0x3FB7];
	_ =	sdelay $0x3  }
0x36: {  	p1 =	seq.s32 s10, $0x1;
	s10 =	sld [smem:$0x3FB8];
	_ =	sdelay $0x3  }
0x37: {  	[smem:$0x3FB8] =	sst s10  }
0x38: {  	s10 =	sld [smem:$0x3FB9]  }
0x39: {  	_ = 	snop;
	(pc) =	sbr.ind lr, $3  }
0x3a: {  	_ = 	snop  }
0x3b: {  	_ = 	snop  }
0x3c: {  	p2 =	seq.s32 s10, $0x1;
	s10 =	sld [smem:$0x3FB8]  }
0x3d: {  	_ =	shalt  }
0x3e: {  	_ =	shalt  }
0x3f: {  	_ =	shalt  }
0x40: {  	_ =	shalt  }
0x41: {  	_ =	shalt  }
0x42: {  	_ =	shalt  }
0x43: {  	_ =	shalt  }
0x44: {  	_ =	shalt  }
0x45: {  	_ =	shalt  }
0x46: {  	_ =	shalt  }
0x47: {  	_ =	shalt  }
0x48: {  	_ =	shalt  }
0x49: {  	_ =	shalt  }
0x4a: {  	_ =	shalt  }
0x4b: {  	_ =	shalt  }
0x4c: {  	_ =	shalt  }
0x4d: {  	_ =	shalt  }
0x4e: {  	_ =	shalt  }
0x4f: {  	_ =	shalt  }
0x50: {  	_ =	shalt  }
0x51: {  	_ =	shalt  }
0x52: {  	_ =	shalt  }
0x53: {  	_ =	shalt  }
0x54: {  	_ =	shalt  }
0x55: {  	_ =	shalt  }
0x56: {  	_ =	shalt  }
0x57: {  	_ =	shalt  }
0x58: {  	_ =	shalt  }
0x59: {  	_ =	shalt  }
0x5a: {  	_ =	shalt  }
0x5b: {  	_ =	shalt  }
0x5c: {  	_ =	shalt  }
0x5d: {  	_ =	shalt  }
0x5e: {  	_ =	shalt  }
0x5f: {  	_ =	shalt  }
0x60: {  	_ =	shalt  }
0x61: {  	_ =	shalt  }
0x62: {  	_ =	shalt  }
0x63: {  	_ =	shalt  }
0x64: {  	_ =	shalt  }
0x65: {  	_ =	shalt  }
0x66: {  	_ =	shalt  }
0x67: {  	_ =	shalt  }
0x68: {  	_ =	shalt  }
0x69: {  	_ =	shalt  }
0x6a: {  	_ =	shalt  }
0x6b: {  	_ =	shalt  }
0x6c: {  	_ =	shalt  }
0x6d: {  	_ =	shalt  }
0x6e: {  	_ =	shalt  }
0x6f: {  	_ =	shalt  }
0x70: {  	_ =	shalt  }
0x71: {  	_ =	shalt  }
0x72: {  	_ =	shalt  }
0x73: {  	_ =	shalt  }
0x74: {  	_ =	shalt  }
0x75: {  	_ =	shalt  }
0x76: {  	_ =	shalt  }
0x77: {  	_ =	shalt  }
0x78: {  	_ =	shalt  }
0x79: {  	_ =	shalt  }
0x7a: {  	_ =	shalt  }
0x7b: {  	_ =	shalt  }
0x7c: {  	_ =	shalt  }
0x7d: {  	_ =	shalt  }
0x7e: {  	_ =	shalt  }
0x7f: {  	_ =	shalt  }
0x80: {  	_ =	shalt  }
0x81: {  	_ =	shalt  }
0x82: {  	_ =	shalt  }
0x83: {  	_ =	shalt  }
0x84: {  	_ =	shalt  }
0x85: {  	_ =	shalt  }
0x86: {  	_ =	shalt  }
0x87: {  	_ =	shalt  }
.Lfunc_end0:
.L_simem_size_0:
called_computation_lowered:
.L_overlay_start_0:
0x88: {  	s2 =	sld [smem:$0x3FD9]  }
0x89: {  	s3 =	sld [smem:$0x3FFE];
	_ =	sdelay $0x1  }
0x8a: {  	s1 =	srdreg.scid  }
0x8b: {  	s0 =	sand.u32 $0x1, s1  }
0x8c: {  	s17 =	sshll.u32 s0, $0xA;
	s2 =	sadd.s32 s3, s2  }
0x8d: {  	s2 =	sadd.s32 s2, s17  }
0x8e: {  	[smem:$0x3FC4] =	sst s2  }
0x8f: {  	_ = 	snop  }
0x90: {  	s2 =	sld [smem:$0x3FC9]  }
0x91: {  	s18 =	sld [smem:$0x3FC7]  }
0x92: {  	s4 =	sld [smem:$0x3FD0];
	(tm) =	ssettm $0x1  }
0x93: {  	s5 =	sld [smem:$0x3FFB];
	_ =	sdelay $0x3  }
0x94: {  	_ =	strace s5  }
0x95: {  	s5 =	sld [smem:$0x3FFC];
	_ =	sdelay $0x3  }
0x96: {  	_ =	strace s5  }
0x97: {  	s5 =	sld [smem:$0x3FFD];
	_ =	sdelay $0x3  }
0x98: {  	_ =	strace s5  }
0x99: {  	_ =	strace $0x8FFFFFFF  }
0x9a: {  	s19 =	sld [smem:$0x3FDB];
	_ =	sdelay $0x1  }
0x9b: {  	s6 =	simm.s32 $_scs_section_size  }
0x9c: {  	s7 =	simm.s32 $_size__tile_overlayer_lowered;
	s8 =	simm.s32 $_tile_overlayer_lowered  }
0x9d: {  	s22 =	simm.s32 $0x1BFF;
	s21 =	sshll.u32 s8, $0x1;
	s5 =	sadd.s32 s6, s19  }
0x9e: {  	s9 =	simm.s32 $0x0;
	s20 =	sshll.u32 s7, $0x1;
	s7 =	sadd.s32 s21, s5  }
0x9f: {  	[timem:s9], [sflag:s22] =	dma.local [hbm:s7], s20  }
0xa0: {  	_ =	swait.ge [sflag:s22], s20  }
0xa1: {  	s6 =	ssub.s32 $0x0, s20;
	[sflag:s22] =	ssyncset.done $0x0  }
0xa2: {  	[sflag:s22] =	ssyncadd.s32 s6;
	_ =	sdelay $0x1  }
0xa3: {  	s23 =	simm.s32 $0x1B8B  }
0xa4: {  	_ =	swait.ge [sflag:s23], $0x1  }
0xa5: {  	[sflag:s23] =	ssyncset.done $0x0  }
0xa6: {  	s25 =	simm.s32 $0x1B8E;
	s24 =	sld [smem:$0x3FFE];
	[sflag:s23] =	ssyncadd.s32 $0xFFFFFFFF  }
0xa7: {  	s26 =	simm.s32 $execute0_lowered;
	[smem:$0x3FD2] =	sst s25  }
0xa8: {  	s7 =	sshll.u32 s26, $0x1;
	_ =	strace $0x80000046;
	[dreg:$0x1] =	wrdreg $0xFFFFFFFF  }
0xa9: {  	s28 =	simm.s32 $_size_execute0_lowered;
	s5 =	sadd.s32 s5, s7;
	[dreg:$0x0] =	wrdreg $0x0  }
0xaa: {  	s7 =	sshll.u32 s28, $0x1;
	[dreg:$0x2] =	wrdreg s5  }
0xab: {  	[dreg:$0x3] =	wrdreg s7  }
0xac: {  	[dreg:$0x4] =	wrdreg $0xC0  }
0xad: {  	_ =	task [dreg:s9], $0x5FFFF  }
0xae: {  	[dreg:$0x1] =	wrdreg $0xFFFFFFFF  }
0xaf: {  	[dreg:$0x0] =	wrdreg $0x60  }
0xb0: {  	[dreg:$0x2] =	wrdreg s2  }
0xb1: {  	[dreg:$0x3] =	wrdreg s18  }
0xb2: {  	[dreg:$0x4] =	wrdreg s24  }
0xb3: {  	[dreg:$0x5] =	wrdreg s4  }
0xb4: {  	[dreg:$0x6] =	wrdreg $0x9  }
0xb5: {  	_ =	task.clear_ibuf [dreg:s9], $0x7FFFF;
	_ =	strace $0x90000046  }
0xb6: {  	s29 =	simm.s32 $0x9;
	_ =	strace $0x80000048  }
0xb7: {  	_ =	swait.ge [sflag:s29], $0x1  }
0xb8: {  	[sflag:s29] =	ssyncadd.s32 $0xFFFFFFFF  }
0xb9: {  	_ =	strace $0x90000048  }
0xba: {  	_ =	sfence  }
0xbb: {  	s30 =	sld [smem:$0x0];
	_ =	sdelay $0x2  }
0xbc: {  	s31 =	sshll.u32 s1, $0xD;
	s1 =	sshrl.u32 s1, $0x2  }
0xbd: {  	s3 =	sand.u32 $0x4000, s31;
	s1 =	sadd.s32 s1, s30  }
0xbe: {  	s0 =	sor.u32 s3, s0;
	s1 =	sshll.u32 s1, $0x11  }
0xbf: {  	s0 =	sor.u32 s1, s0  }
0xc0: {  	s0 =	sadd.s32 $0x8F2B, s0  }
0xc1: {  	[sflag:s0] =	ssyncadd.remote.s32 $0x1  }
0xc2: {  	_ =	sfence.sel $0xFFFF  }
0xc3: {  	[dreg:$0x0] =	wrdreg $0xFFFFFFFF;
	(pc) =	sbr.abs _section_cstart, $3  }
0xc4: {  	[dreg:$0x1] =	wrdreg $0xFFFFFFFF  }
0xc5: {  	_ =	task.clear_ibuf [dreg:s9], $0x2FFFF;
	_ =	strace $0x9FFFFFFF  }
0xc6: {  	(tm) =	ssettm $0x7FFFFFFF  }
0xc7: {  	_ =	shalt  }
tec
execute0_lowered:
.L_overlay_start_1:
0x0: {  	(tag) =	ssettag $0x1  }
0x1: {  	s1 =	rddreg [dreg:$0x0]  }
0x2: {  	s2 =	rddreg [dreg:$0x1]  }
0x3: {  	s0 =	rddreg [dreg:$0x2]  }
0x4: {  	s3 =	rddreg [dreg:$0x3]  }
0x5: {  	s5 =	simm.s32 $0x0;
	s6 =	srdreg.scid;
	s4 =	stileid.u32  }
0x6: {  	s13 =	simm.s32 $0x1E700;
	s14 =	simm.s32 $0x4;
	s15 =	simm.s32 $0x1E900  }
0x7: {  	s16 =	simm.s32 $0x80;
	s17 =	simm.s32 $0x400;
	s18 =	simm.s32 $0x18700  }
0x8: {  	s19 =	simm.s32 $0x1;
	s20 =	simm.s32 $0x2;
	s21 =	simm.s32 $0x1C700  }
0x9: {  	s22 =	simm.s32 $0x1D700;
	s23 =	simm.s32 $0x3;
	s24 =	simm.s32 $0x0  }
0xa: {  	[smem:$0x7FF] =	sst s5;
	s8 =	sand.u32 $0x1, s6;
	s6 =	sadd.s32 $0x600, s0  }
0xb: {  	s10 =	sshll.u32 s4, $0x1;
	s7 =	sadd.s32 $0x400, s0;
	s9 =	ssub.s32 $0x2, s8  }
0xc: {  	s11 =	sadd.s32 $0x3000, s3;
	_ =	strace $0x80000047;
	s31 =	sshrl.u32 s9, $0x1  }
0xd: {  	s8 =	sor.u32 s8, s10;
	s10 =	sadd.s32 $0x2000, s3;
	s0 =	ssub.s32 s9, s31  }
0xe: {  	s8 =	smul.u32 $0xD, s8;
	s9 =	sadd.s32 $0x1000, s3;
	s12 =	smax.u32 s0, $0x1  }
.LBB2_1:
0xf: {  	[tilespmem:s13], [sflag:$0x4] =	stream.linear.gather [hbm4b:s6+s5], $0x200, $0x38;
	[tilespmem:$0x1EB00] =	vst v63  }
0x10: {  	_ =	swait.ge [sflag:s14], $0x200  }
0x11: {  	[sflag:s14] =	ssyncset.done $0x0  }
0x12: {  	[sflag:s14] =	ssyncadd.s32 $0xFFFFFE00  }
0x13: {  	[tilespmem:s15], [sflag:$0x4] =	stream.linear.gather [hbm4b:s7+s5], $0x200, $0x38;
	[tilespmem:$0x1EB00] =	vst v63  }
0x14: {  	_ =	swait.ge [sflag:s14], $0x200  }
0x15: {  	[sflag:s14] =	ssyncset.done $0x0  }
0x16: {  	s25 =	simm.s32 $0x0;
	[sflag:s14] =	ssyncadd.s32 $0xFFFFFE00  }
.LBB2_2:
0x17: {  	s0 =	sadd.s32 s8, s25  }
0x18: {  	s28 =	sshrl.u32 s0, $0x4;
	s26 =	sshrl.u32 s0, $0x3  }
0x19: {  	s29 =	sand.u32 $0x1, s26;
	s30 =	smul.u32 $0x187000, s28  }
0x1a: {  	s31 =	smul.u32 $0xC3800, s29  }
0x1b: {  	s4 =	sshll.u32 s0, $0x7  }
0x1c: {  	s26 =	sand.u32 $0x380, s4;
	s30 =	sadd.s32 s30, s31  }
0x1d: {  	s30 =	sor.u32 s26, s30  }
0x1e: {  	v0 =	vmov s0;
	s0 =	sand.u32 $0x70, s0;
	s30 =	sshrl.u32 s30, $0x3  }
0x1f: {  	s4 =	sand.u32 $0xFFFC000, s4;
	s0 =	sadd.s32 s1, s0;
	s30 =	sadd.s32 s2, s30  }
0x20: {  	[tilespmem:s5], [sflag:$0x1] =	stream.strided.gather [hbm4b:s30+s16], $0x18700, s17, s16, $0x38;
	[tilespmem:$0x1EB00] =	vst v63  }
0x21: {  	s0 =	sadd.s32 s4, s0  }
0x22: {  	[tilespmem:s18], [sflag:$0x2] =	stream.strided.gather [hbm4b:s0+s16], $0x4000, s17, s16, $0x38;
	[tilespmem:$0x1EB00] =	vst v63  }
0x23: {  	v1 =	vld.idx.msk [tilespmem:v0+s13+$0x0], $0xffff  }
0x24: {  	v0 =	vld.idx.msk [tilespmem:v0+s15+$0x0], $0xffff;
	_ =	swait.ge [sflag:s19], $0x18700  }
0x25: {  	[sflag:s19] =	ssyncset.done $0x0  }
0x26: {  	[sflag:s19] =	ssyncadd.s32 $0xFFFE7900  }
0x27: {  	_ =	swait.ge [sflag:s20], $0x4000  }
0x28: {  	[sflag:s20] =	ssyncset.done $0x0  }
0x29: {  	s4 =	simm.s32 $0x18740;
	[sflag:s20] =	ssyncadd.s32 $0xFFFFC000  }
0x2a: {  	v2 =	vld [tilespmem:s4+$0x30]  }
0x2b: {  	v3 =	vld [tilespmem:s4+$0xFFFFFFD0]  }
0x2c: {  	v4 =	vld [tilespmem:s4+$0xFFFFFFE0]  }
0x2d: {  	v5 =	vld [tilespmem:s4+$0xFFFFFFF0]  }
0x2e: {  	v6 =	vld [tilespmem:s4+$0x0]  }
0x2f: {  	v7 =	vld [tilespmem:s4+$0x10]  }
0x30: {  	v8 =	vld [tilespmem:s4+$0x20]  }
0x31: {  	v9 =	vld [tilespmem:s4+$0xFFFFFFC0];
	s4 =	simm.s32 $0x187C0  }
0x32: {  	v10 =	vld [tilespmem:s4+$0x30]  }
0x33: {  	v11 =	vld [tilespmem:s4+$0xFFFFFFD0]  }
0x34: {  	v12 =	vld [tilespmem:s4+$0xFFFFFFE0]  }
0x35: {  	v13 =	vld [tilespmem:s4+$0xFFFFFFF0]  }
0x36: {  	v14 =	vld [tilespmem:s4+$0x0]  }
0x37: {  	v15 =	vld [tilespmem:s4+$0x10]  }
0x38: {  	v16 =	vld [tilespmem:s4+$0x20]  }
0x39: {  	v2 =	vld.idx.msk [tilespmem:v2+s5+$0x0], $0xffff  }
0x3a: {  	v3 =	vld.idx.msk [tilespmem:v3+s5+$0x0], $0xffff  }
0x3b: {  	v4 =	vld.idx.msk [tilespmem:v4+s5+$0x0], $0xffff  }
0x3c: {  	v5 =	vld.idx.msk [tilespmem:v5+s5+$0x0], $0xffff  }
0x3d: {  	v6 =	vld.idx.msk [tilespmem:v6+s5+$0x0], $0xffff  }
0x3e: {  	v7 =	vld.idx.msk [tilespmem:v7+s5+$0x0], $0xffff;
	v2 =	vmul.f32 v2, v1  }
0x3f: {  	v8 =	vld.idx.msk [tilespmem:v8+s5+$0x0], $0xffff;
	v3 =	vmul.f32 v3, v1  }
0x40: {  	v9 =	vld.idx.msk [tilespmem:v9+s5+$0x0], $0xffff;
	v4 =	vmul.f32 v4, v1;
	v2 =	vadd.f32 v2, v0  }
0x41: {  	s30 =	simm.s32 $0x1C740;
	v17 =	vld [tilespmem:s4+$0xFFFFFFC0];
	v5 =	vmul.f32 v5, v1;
	v3 =	vadd.f32 v3, v0  }
0x42: {  	v10 =	vld.idx.msk [tilespmem:v10+s5+$0x0], $0xffff;
	[tilespmem:s30+$0x30] =	vst v2;
	v2 =	vadd.f32 v4, v0;
	v4 =	vmul.f32 v6, v1  }
0x43: {  	v11 =	vld.idx.msk [tilespmem:v11+s5+$0x0], $0xffff;
	[tilespmem:s30+$0xFFFFFFD0] =	vst v3;
	v3 =	vadd.f32 v5, v0;
	v5 =	vmul.f32 v7, v1  }
0x44: {  	v7 =	vld.idx.msk [tilespmem:v12+s5+$0x0], $0xffff;
	[tilespmem:s30+$0xFFFFFFE0] =	vst v2;
	v2 =	vadd.f32 v4, v0;
	v4 =	vmul.f32 v8, v1  }
0x45: {  	v6 =	vld.idx.msk [tilespmem:v13+s5+$0x0], $0xffff;
	[tilespmem:s30+$0xFFFFFFF0] =	vst v3;
	v3 =	vmul.f32 v9, v1;
	v8 =	vadd.f32 v5, v0  }
0x46: {  	v5 =	vld.idx.msk [tilespmem:v14+s5+$0x0], $0xffff;
	[tilespmem:s30+$0x0] =	vst v2;
	v2 =	vadd.f32 v4, v0  }
0x47: {  	v3 =	vadd.f32 v3, v0;
	[tilespmem:s30+$0x10] =	vst v8;
	v4 =	vld.idx.msk [tilespmem:v15+s5+$0x0], $0xffff  }
0x48: {  	v8 =	vmul.f32 v10, v1;
	[tilespmem:s30+$0x20] =	vst v2;
	v2 =	vld.idx.msk [tilespmem:v16+s5+$0x0], $0xffff  }
0x49: {  	s31 =	simm.s32 $0x8;
	s0 =	simm.s32 $0x18840;
	v9 =	vmul.f32 v11, v1;
	[tilespmem:s30+$0xFFFFFFC0] =	vst v3;
	v3 =	vld.idx.msk [tilespmem:v17+s5+$0x0], $0xffff  }
.LBB2_3:
0x4a: {  	v10 =	vld [tilespmem:s0+$0x30];
	s31 =	sadd.s32 $0x8, s31;
	v7 =	vmul.f32 v7, v1;
	v8 =	vadd.f32 v8, v0  }
0x4b: {  	v6 =	vmul.f32 v6, v1;
	s30 =	sadd.s32 $0x80, s30;
	v11 =	vld [tilespmem:s0+$0xFFFFFFD0];
	p0 =	slt.u32 s31, $0xF8;
	v9 =	vadd.f32 v9, v0  }
0x4c: {  	v5 =	vmul.f32 v5, v1;
	v12 =	vld [tilespmem:s0+$0xFFFFFFE0];
	v7 =	vadd.f32 v7, v0;
	[tilespmem:s30+$0x30] =	vst v8  }
0x4d: {  	v6 =	vadd.f32 v6, v0;
	v4 =	vmul.f32 v4, v1;
	v8 =	vld [tilespmem:s0+$0xFFFFFFF0];
	[tilespmem:s30+$0xFFFFFFD0] =	vst v9  }
0x4e: {  	v5 =	vadd.f32 v5, v0;
	v2 =	vmul.f32 v2, v1;
	v9 =	vld [tilespmem:s0+$0x0];
	[tilespmem:s30+$0xFFFFFFE0] =	vst v7  }
0x4f: {  	v3 =	vmul.f32 v3, v1;
	v4 =	vadd.f32 v4, v0;
	v13 =	vld [tilespmem:s0+$0x10];
	[tilespmem:s30+$0xFFFFFFF0] =	vst v6  }
0x50: {  	v2 =	vadd.f32 v2, v0;
	v14 =	vld [tilespmem:s0+$0x20];
	[tilespmem:s30+$0x0] =	vst v5  }
0x51: {  	v3 =	vadd.f32 v3, v0;
	v15 =	vld [tilespmem:s0+$0xFFFFFFC0];
	[tilespmem:s30+$0x10] =	vst v4  }
0x52: {  	v10 =	vld.idx.msk [tilespmem:v10+s5+$0x0], $0xffff;
	[tilespmem:s30+$0x20] =	vst v2  }
0x53: {  	v11 =	vld.idx.msk [tilespmem:v11+s5+$0x0], $0xffff;
	[tilespmem:s30+$0xFFFFFFC0] =	vst v3  }
0x54: {  	v7 =	vld.idx.msk [tilespmem:v12+s5+$0x0], $0xffff  }
.Ltmp0:
0x55: {  	v6 =	vld.idx.msk [tilespmem:v8+s5+$0x0], $0xffff;
	(pc) =	sbr.rel @p0 .LBB2_3-.Ltmp0, $4  }
0x56: {  	v5 =	vld.idx.msk [tilespmem:v9+s5+$0x0], $0xffff  }
0x57: {  	v4 =	vld.idx.msk [tilespmem:v13+s5+$0x0], $0xffff  }
0x58: {  	v8 =	vmul.f32 v10, v1;
	v2 =	vld.idx.msk [tilespmem:v14+s5+$0x0], $0xffff  }
0x59: {  	s0 =	sadd.s32 $0x80, s0;
	v9 =	vmul.f32 v11, v1;
	v3 =	vld.idx.msk [tilespmem:v15+s5+$0x0], $0xffff  }
0x5a: {  	v7 =	vmul.f32 v7, v1;
	v8 =	vadd.f32 v8, v0  }
0x5b: {  	v6 =	vmul.f32 v6, v1;
	s0 =	sadd.s32 $0x80, s30;
	v9 =	vadd.f32 v9, v0  }
0x5c: {  	v5 =	vmul.f32 v5, v1;
	v7 =	vadd.f32 v7, v0;
	[tilespmem:s0+$0x30] =	vst v8  }
0x5d: {  	v6 =	vadd.f32 v6, v0;
	v4 =	vmul.f32 v4, v1;
	[tilespmem:s0+$0xFFFFFFD0] =	vst v9  }
0x5e: {  	v5 =	vadd.f32 v5, v0;
	v2 =	vmul.f32 v2, v1;
	[tilespmem:s0+$0xFFFFFFE0] =	vst v7  }
0x5f: {  	s4 =	sshll.u32 s28, $0x12;
	s28 =	sshll.u32 s29, $0x11;
	v3 =	vmul.f32 v3, v1;
	[tilespmem:s0+$0xFFFFFFF0] =	vst v6;
	v4 =	vadd.f32 v4, v0  }
0x60: {  	s4 =	sor.u32 s4, s28;
	[tilespmem:s0+$0x0] =	vst v5;
	v2 =	vadd.f32 v2, v0  }
0x61: {  	s4 =	sor.u32 s26, s4;
	v3 =	vadd.f32 v3, v0;
	[tilespmem:s0+$0x10] =	vst v4  }
0x62: {  	s26 =	sshrl.u32 s4, $0x3;
	[tilespmem:s0+$0x20] =	vst v2  }
0x63: {  	s30 =	simm.s32 $0x19770;
	s4 =	sadd.s32 s3, s26;
	[tilespmem:s0+$0xFFFFFFC0] =	vst v3  }
0x64: {  	[hbm4b:s4+s16] =	stream.strided.scatter [tilespmem:s21], [sflag:$0x3], $0x1000, s17, s16, $0x38;
	[tilespmem:$0x1EB00] =	vst v63  }
0x65: {  	v2 =	vld [tilespmem:s30+$0x0]  }
0x66: {  	v3 =	vld [tilespmem:s30+$0xFFFFFFA0]  }
0x67: {  	v4 =	vld [tilespmem:s30+$0xFFFFFFB0]  }
0x68: {  	v5 =	vld [tilespmem:s30+$0xFFFFFFC0]  }
0x69: {  	v6 =	vld [tilespmem:s30+$0xFFFFFFD0]  }
0x6a: {  	v7 =	vld [tilespmem:s30+$0xFFFFFFE0]  }
0x6b: {  	v8 =	vld [tilespmem:s30+$0xFFFFFFF0]  }
0x6c: {  	s31 =	simm.s32 $0x197F0;
	v9 =	vld [tilespmem:s30+$0xFFFFFF90]  }
0x6d: {  	v10 =	vld [tilespmem:s31+$0x0]  }
0x6e: {  	v11 =	vld [tilespmem:s31+$0xFFFFFFA0]  }
0x6f: {  	v12 =	vld [tilespmem:s31+$0xFFFFFFB0]  }
0x70: {  	v13 =	vld [tilespmem:s31+$0xFFFFFFC0]  }
0x71: {  	v14 =	vld [tilespmem:s31+$0xFFFFFFD0]  }
0x72: {  	v15 =	vld [tilespmem:s31+$0xFFFFFFE0]  }
0x73: {  	v16 =	vld [tilespmem:s31+$0xFFFFFFF0]  }
0x74: {  	v2 =	vld.idx.msk [tilespmem:v2+s5+$0x0], $0xffff  }
0x75: {  	v3 =	vld.idx.msk [tilespmem:v3+s5+$0x0], $0xffff  }
0x76: {  	v4 =	vld.idx.msk [tilespmem:v4+s5+$0x0], $0xffff  }
0x77: {  	v5 =	vld.idx.msk [tilespmem:v5+s5+$0x0], $0xffff  }
0x78: {  	v6 =	vld.idx.msk [tilespmem:v6+s5+$0x0], $0xffff  }
0x79: {  	v7 =	vld.idx.msk [tilespmem:v7+s5+$0x0], $0xffff;
	v2 =	vmul.f32 v2, v1  }
0x7a: {  	v8 =	vld.idx.msk [tilespmem:v8+s5+$0x0], $0xffff;
	v3 =	vmul.f32 v3, v1  }
0x7b: {  	v9 =	vld.idx.msk [tilespmem:v9+s5+$0x0], $0xffff;
	v4 =	vmul.f32 v4, v1;
	v2 =	vadd.f32 v2, v0  }
0x7c: {  	s28 =	simm.s32 $0x1D740;
	v17 =	vld [tilespmem:s31+$0xFFFFFF90];
	v5 =	vmul.f32 v5, v1;
	v3 =	vadd.f32 v3, v0  }
0x7d: {  	v10 =	vld.idx.msk [tilespmem:v10+s5+$0x0], $0xffff;
	[tilespmem:s28+$0x30] =	vst v2;
	v2 =	vadd.f32 v4, v0;
	v4 =	vmul.f32 v6, v1  }
0x7e: {  	v11 =	vld.idx.msk [tilespmem:v11+s5+$0x0], $0xffff;
	[tilespmem:s28+$0xFFFFFFD0] =	vst v3;
	v3 =	vadd.f32 v5, v0;
	v5 =	vmul.f32 v7, v1  }
0x7f: {  	v7 =	vld.idx.msk [tilespmem:v12+s5+$0x0], $0xffff;
	[tilespmem:s28+$0xFFFFFFE0] =	vst v2;
	v2 =	vadd.f32 v4, v0;
	v4 =	vmul.f32 v8, v1  }
0x80: {  	v6 =	vld.idx.msk [tilespmem:v13+s5+$0x0], $0xffff;
	[tilespmem:s28+$0xFFFFFFF0] =	vst v3;
	v3 =	vmul.f32 v9, v1;
	v8 =	vadd.f32 v5, v0  }
0x81: {  	v5 =	vld.idx.msk [tilespmem:v14+s5+$0x0], $0xffff;
	[tilespmem:s28+$0x0] =	vst v2;
	v2 =	vadd.f32 v4, v0  }
0x82: {  	v3 =	vadd.f32 v3, v0;
	[tilespmem:s28+$0x10] =	vst v8;
	v4 =	vld.idx.msk [tilespmem:v15+s5+$0x0], $0xffff  }
0x83: {  	v8 =	vmul.f32 v10, v1;
	[tilespmem:s28+$0x20] =	vst v2;
	v2 =	vld.idx.msk [tilespmem:v16+s5+$0x0], $0xffff  }
0x84: {  	s29 =	simm.s32 $0x8;
	s0 =	simm.s32 $0x19870;
	v9 =	vmul.f32 v11, v1;
	[tilespmem:s28+$0xFFFFFFC0] =	vst v3;
	v3 =	vld.idx.msk [tilespmem:v17+s5+$0x0], $0xffff  }
.LBB2_5:
0x85: {  	v10 =	vld [tilespmem:s0+$0x0];
	s29 =	sadd.s32 $0x8, s29;
	v7 =	vmul.f32 v7, v1;
	v8 =	vadd.f32 v8, v0  }
0x86: {  	v6 =	vmul.f32 v6, v1;
	s28 =	sadd.s32 $0x80, s28;
	v11 =	vld [tilespmem:s0+$0xFFFFFFA0];
	p0 =	slt.u32 s29, $0xF8;
	v9 =	vadd.f32 v9, v0  }
0x87: {  	v5 =	vmul.f32 v5, v1;
	v12 =	vld [tilespmem:s0+$0xFFFFFFB0];
	v7 =	vadd.f32 v7, v0;
	[tilespmem:s28+$0x30] =	vst v8  }
0x88: {  	v6 =	vadd.f32 v6, v0;
	v4 =	vmul.f32 v4, v1;
	v8 =	vld [tilespmem:s0+$0xFFFFFFC0];
	[tilespmem:s28+$0xFFFFFFD0] =	vst v9  }
0x89: {  	v5 =	vadd.f32 v5, v0;
	v2 =	vmul.f32 v2, v1;
	v9 =	vld [tilespmem:s0+$0xFFFFFFD0];
	[tilespmem:s28+$0xFFFFFFE0] =	vst v7  }
0x8a: {  	v3 =	vmul.f32 v3, v1;
	v4 =	vadd.f32 v4, v0;
	v13 =	vld [tilespmem:s0+$0xFFFFFFE0];
	[tilespmem:s28+$0xFFFFFFF0] =	vst v6  }
0x8b: {  	v2 =	vadd.f32 v2, v0;
	v14 =	vld [tilespmem:s0+$0xFFFFFFF0];
	[tilespmem:s28+$0x0] =	vst v5  }
0x8c: {  	v3 =	vadd.f32 v3, v0;
	v15 =	vld [tilespmem:s0+$0xFFFFFF90];
	[tilespmem:s28+$0x10] =	vst v4  }
0x8d: {  	v10 =	vld.idx.msk [tilespmem:v10+s5+$0x0], $0xffff;
	[tilespmem:s28+$0x20] =	vst v2  }
0x8e: {  	v11 =	vld.idx.msk [tilespmem:v11+s5+$0x0], $0xffff;
	[tilespmem:s28+$0xFFFFFFC0] =	vst v3  }
0x8f: {  	v7 =	vld.idx.msk [tilespmem:v12+s5+$0x0], $0xffff  }
.Ltmp1:
0x90: {  	v6 =	vld.idx.msk [tilespmem:v8+s5+$0x0], $0xffff;
	(pc) =	sbr.rel @p0 .LBB2_5-.Ltmp1, $4  }
0x91: {  	v5 =	vld.idx.msk [tilespmem:v9+s5+$0x0], $0xffff  }
0x92: {  	v4 =	vld.idx.msk [tilespmem:v13+s5+$0x0], $0xffff  }
0x93: {  	v8 =	vmul.f32 v10, v1;
	v2 =	vld.idx.msk [tilespmem:v14+s5+$0x0], $0xffff  }
0x94: {  	s0 =	sadd.s32 $0x80, s0;
	v9 =	vmul.f32 v11, v1;
	v3 =	vld.idx.msk [tilespmem:v15+s5+$0x0], $0xffff  }
0x95: {  	v7 =	vmul.f32 v7, v1;
	v8 =	vadd.f32 v8, v0  }
0x96: {  	v6 =	vmul.f32 v6, v1;
	s0 =	sadd.s32 $0x80, s28;
	v9 =	vadd.f32 v9, v0  }
0x97: {  	v5 =	vmul.f32 v5, v1;
	v7 =	vadd.f32 v7, v0;
	[tilespmem:s0+$0x30] =	vst v8  }
0x98: {  	v6 =	vadd.f32 v6, v0;
	v4 =	vmul.f32 v4, v1;
	[tilespmem:s0+$0xFFFFFFD0] =	vst v9  }
0x99: {  	v5 =	vadd.f32 v5, v0;
	v2 =	vmul.f32 v2, v1;
	[tilespmem:s0+$0xFFFFFFE0] =	vst v7  }
0x9a: {  	v3 =	vmul.f32 v3, v1;
	[tilespmem:s0+$0xFFFFFFF0] =	vst v6;
	v4 =	vadd.f32 v4, v0  }
0x9b: {  	[tilespmem:s0+$0x0] =	vst v5;
	v2 =	vadd.f32 v2, v0  }
0x9c: {  	v3 =	vadd.f32 v3, v0;
	[tilespmem:s0+$0x10] =	vst v4  }
0x9d: {  	[tilespmem:s0+$0x20] =	vst v2  }
0x9e: {  	s4 =	sadd.s32 s26, s9;
	[tilespmem:s0+$0xFFFFFFC0] =	vst v3  }
0x9f: {  	[hbm4b:s4+s16] =	stream.strided.scatter [tilespmem:s22], [sflag:$0x3], $0x1000, s17, s16, $0x38;
	[tilespmem:$0x1EB00] =	vst v63  }
0xa0: {  	_ =	swait.ge [sflag:s23], $0x1000  }
0xa1: {  	[sflag:s23] =	ssyncset.done $0x0  }
0xa2: {  	s30 =	simm.s32 $0x1A770;
	[sflag:s23] =	ssyncadd.s32 $0xFFFFF000  }
0xa3: {  	v2 =	vld [tilespmem:s30+$0x0]  }
0xa4: {  	v3 =	vld [tilespmem:s30+$0xFFFFFFA0]  }
0xa5: {  	v4 =	vld [tilespmem:s30+$0xFFFFFFB0]  }
0xa6: {  	v5 =	vld [tilespmem:s30+$0xFFFFFFC0]  }
0xa7: {  	v6 =	vld [tilespmem:s30+$0xFFFFFFD0]  }
0xa8: {  	v7 =	vld [tilespmem:s30+$0xFFFFFFE0]  }
0xa9: {  	v8 =	vld [tilespmem:s30+$0xFFFFFFF0]  }
0xaa: {  	s31 =	simm.s32 $0x1A7F0;
	v9 =	vld [tilespmem:s30+$0xFFFFFF90]  }
0xab: {  	v10 =	vld [tilespmem:s31+$0x0]  }
0xac: {  	v11 =	vld [tilespmem:s31+$0xFFFFFFA0]  }
0xad: {  	v12 =	vld [tilespmem:s31+$0xFFFFFFB0]  }
0xae: {  	v13 =	vld [tilespmem:s31+$0xFFFFFFC0]  }
0xaf: {  	v14 =	vld [tilespmem:s31+$0xFFFFFFD0]  }
0xb0: {  	v15 =	vld [tilespmem:s31+$0xFFFFFFE0]  }
0xb1: {  	v16 =	vld [tilespmem:s31+$0xFFFFFFF0]  }
0xb2: {  	v2 =	vld.idx.msk [tilespmem:v2+s5+$0x0], $0xffff  }
0xb3: {  	v3 =	vld.idx.msk [tilespmem:v3+s5+$0x0], $0xffff  }
0xb4: {  	v4 =	vld.idx.msk [tilespmem:v4+s5+$0x0], $0xffff  }
0xb5: {  	v5 =	vld.idx.msk [tilespmem:v5+s5+$0x0], $0xffff  }
0xb6: {  	v6 =	vld.idx.msk [tilespmem:v6+s5+$0x0], $0xffff  }
0xb7: {  	v7 =	vld.idx.msk [tilespmem:v7+s5+$0x0], $0xffff;
	v2 =	vmul.f32 v2, v1  }
0xb8: {  	v8 =	vld.idx.msk [tilespmem:v8+s5+$0x0], $0xffff;
	v3 =	vmul.f32 v3, v1  }
0xb9: {  	v9 =	vld.idx.msk [tilespmem:v9+s5+$0x0], $0xffff;
	v4 =	vmul.f32 v4, v1;
	v2 =	vadd.f32 v2, v0  }
0xba: {  	s28 =	simm.s32 $0x1C740;
	v17 =	vld [tilespmem:s31+$0xFFFFFF90];
	v5 =	vmul.f32 v5, v1;
	v3 =	vadd.f32 v3, v0  }
0xbb: {  	v10 =	vld.idx.msk [tilespmem:v10+s5+$0x0], $0xffff;
	[tilespmem:s28+$0x30] =	vst v2;
	v2 =	vadd.f32 v4, v0;
	v4 =	vmul.f32 v6, v1  }
0xbc: {  	v11 =	vld.idx.msk [tilespmem:v11+s5+$0x0], $0xffff;
	[tilespmem:s28+$0xFFFFFFD0] =	vst v3;
	v3 =	vadd.f32 v5, v0;
	v5 =	vmul.f32 v7, v1  }
0xbd: {  	v7 =	vld.idx.msk [tilespmem:v12+s5+$0x0], $0xffff;
	[tilespmem:s28+$0xFFFFFFE0] =	vst v2;
	v2 =	vadd.f32 v4, v0;
	v4 =	vmul.f32 v8, v1  }
0xbe: {  	v6 =	vld.idx.msk [tilespmem:v13+s5+$0x0], $0xffff;
	[tilespmem:s28+$0xFFFFFFF0] =	vst v3;
	v3 =	vmul.f32 v9, v1;
	v8 =	vadd.f32 v5, v0  }
0xbf: {  	v5 =	vld.idx.msk [tilespmem:v14+s5+$0x0], $0xffff;
	[tilespmem:s28+$0x0] =	vst v2;
	v2 =	vadd.f32 v4, v0  }
0xc0: {  	v3 =	vadd.f32 v3, v0;
	[tilespmem:s28+$0x10] =	vst v8;
	v4 =	vld.idx.msk [tilespmem:v15+s5+$0x0], $0xffff  }
0xc1: {  	v8 =	vmul.f32 v10, v1;
	[tilespmem:s28+$0x20] =	vst v2;
	v2 =	vld.idx.msk [tilespmem:v16+s5+$0x0], $0xffff  }
0xc2: {  	s29 =	simm.s32 $0x8;
	s0 =	simm.s32 $0x1A870;
	v9 =	vmul.f32 v11, v1;
	[tilespmem:s28+$0xFFFFFFC0] =	vst v3;
	v3 =	vld.idx.msk [tilespmem:v17+s5+$0x0], $0xffff  }
.LBB2_7:
0xc3: {  	v10 =	vld [tilespmem:s0+$0x0];
	s29 =	sadd.s32 $0x8, s29;
	v7 =	vmul.f32 v7, v1;
	v8 =	vadd.f32 v8, v0  }
0xc4: {  	v6 =	vmul.f32 v6, v1;
	s28 =	sadd.s32 $0x80, s28;
	v11 =	vld [tilespmem:s0+$0xFFFFFFA0];
	p0 =	slt.u32 s29, $0xF8;
	v9 =	vadd.f32 v9, v0  }
0xc5: {  	v5 =	vmul.f32 v5, v1;
	v12 =	vld [tilespmem:s0+$0xFFFFFFB0];
	v7 =	vadd.f32 v7, v0;
	[tilespmem:s28+$0x30] =	vst v8  }
0xc6: {  	v6 =	vadd.f32 v6, v0;
	v4 =	vmul.f32 v4, v1;
	v8 =	vld [tilespmem:s0+$0xFFFFFFC0];
	[tilespmem:s28+$0xFFFFFFD0] =	vst v9  }
0xc7: {  	v5 =	vadd.f32 v5, v0;
	v2 =	vmul.f32 v2, v1;
	v9 =	vld [tilespmem:s0+$0xFFFFFFD0];
	[tilespmem:s28+$0xFFFFFFE0] =	vst v7  }
0xc8: {  	v3 =	vmul.f32 v3, v1;
	v4 =	vadd.f32 v4, v0;
	v13 =	vld [tilespmem:s0+$0xFFFFFFE0];
	[tilespmem:s28+$0xFFFFFFF0] =	vst v6  }
0xc9: {  	v2 =	vadd.f32 v2, v0;
	v14 =	vld [tilespmem:s0+$0xFFFFFFF0];
	[tilespmem:s28+$0x0] =	vst v5  }
0xca: {  	v3 =	vadd.f32 v3, v0;
	v15 =	vld [tilespmem:s0+$0xFFFFFF90];
	[tilespmem:s28+$0x10] =	vst v4  }
0xcb: {  	v10 =	vld.idx.msk [tilespmem:v10+s5+$0x0], $0xffff;
	[tilespmem:s28+$0x20] =	vst v2  }
0xcc: {  	v11 =	vld.idx.msk [tilespmem:v11+s5+$0x0], $0xffff;
	[tilespmem:s28+$0xFFFFFFC0] =	vst v3  }
0xcd: {  	v7 =	vld.idx.msk [tilespmem:v12+s5+$0x0], $0xffff  }
.Ltmp2:
0xce: {  	v6 =	vld.idx.msk [tilespmem:v8+s5+$0x0], $0xffff;
	(pc) =	sbr.rel @p0 .LBB2_7-.Ltmp2, $4  }
0xcf: {  	v5 =	vld.idx.msk [tilespmem:v9+s5+$0x0], $0xffff  }
0xd0: {  	v4 =	vld.idx.msk [tilespmem:v13+s5+$0x0], $0xffff  }
0xd1: {  	v8 =	vmul.f32 v10, v1;
	v2 =	vld.idx.msk [tilespmem:v14+s5+$0x0], $0xffff  }
0xd2: {  	s0 =	sadd.s32 $0x80, s0;
	v9 =	vmul.f32 v11, v1;
	v3 =	vld.idx.msk [tilespmem:v15+s5+$0x0], $0xffff  }
0xd3: {  	v7 =	vmul.f32 v7, v1;
	v8 =	vadd.f32 v8, v0  }
0xd4: {  	v6 =	vmul.f32 v6, v1;
	s0 =	sadd.s32 $0x80, s28;
	v9 =	vadd.f32 v9, v0  }
0xd5: {  	v5 =	vmul.f32 v5, v1;
	v7 =	vadd.f32 v7, v0;
	[tilespmem:s0+$0x30] =	vst v8  }
0xd6: {  	v6 =	vadd.f32 v6, v0;
	v4 =	vmul.f32 v4, v1;
	[tilespmem:s0+$0xFFFFFFD0] =	vst v9  }
0xd7: {  	v5 =	vadd.f32 v5, v0;
	v2 =	vmul.f32 v2, v1;
	[tilespmem:s0+$0xFFFFFFE0] =	vst v7  }
0xd8: {  	v3 =	vmul.f32 v3, v1;
	[tilespmem:s0+$0xFFFFFFF0] =	vst v6;
	v4 =	vadd.f32 v4, v0  }
0xd9: {  	[tilespmem:s0+$0x0] =	vst v5;
	v2 =	vadd.f32 v2, v0  }
0xda: {  	v3 =	vadd.f32 v3, v0;
	[tilespmem:s0+$0x10] =	vst v4  }
0xdb: {  	[tilespmem:s0+$0x20] =	vst v2  }
0xdc: {  	s4 =	sadd.s32 s26, s10;
	[tilespmem:s0+$0xFFFFFFC0] =	vst v3  }
0xdd: {  	[hbm4b:s4+s16] =	stream.strided.scatter [tilespmem:s21], [sflag:$0x3], $0x1000, s17, s16, $0x38;
	[tilespmem:$0x1EB00] =	vst v63  }
0xde: {  	_ =	swait.ge [sflag:s23], $0x1000  }
0xdf: {  	[sflag:s23] =	ssyncset.done $0x0  }
0xe0: {  	s30 =	simm.s32 $0x1B770;
	[sflag:s23] =	ssyncadd.s32 $0xFFFFF000  }
0xe1: {  	v2 =	vld [tilespmem:s30+$0x0]  }
0xe2: {  	v3 =	vld [tilespmem:s30+$0xFFFFFFA0]  }
0xe3: {  	v4 =	vld [tilespmem:s30+$0xFFFFFFB0]  }
0xe4: {  	v5 =	vld [tilespmem:s30+$0xFFFFFFC0]  }
0xe5: {  	v6 =	vld [tilespmem:s30+$0xFFFFFFD0]  }
0xe6: {  	v7 =	vld [tilespmem:s30+$0xFFFFFFE0]  }
0xe7: {  	v8 =	vld [tilespmem:s30+$0xFFFFFFF0]  }
0xe8: {  	s31 =	simm.s32 $0x1B7F0;
	v9 =	vld [tilespmem:s30+$0xFFFFFF90]  }
0xe9: {  	v10 =	vld [tilespmem:s31+$0x0]  }
0xea: {  	v11 =	vld [tilespmem:s31+$0xFFFFFFA0]  }
0xeb: {  	v12 =	vld [tilespmem:s31+$0xFFFFFFB0]  }
0xec: {  	v13 =	vld [tilespmem:s31+$0xFFFFFFC0]  }
0xed: {  	v14 =	vld [tilespmem:s31+$0xFFFFFFD0]  }
0xee: {  	v15 =	vld [tilespmem:s31+$0xFFFFFFE0]  }
0xef: {  	v16 =	vld [tilespmem:s31+$0xFFFFFFF0]  }
0xf0: {  	v2 =	vld.idx.msk [tilespmem:v2+s5+$0x0], $0xffff  }
0xf1: {  	v3 =	vld.idx.msk [tilespmem:v3+s5+$0x0], $0xffff  }
0xf2: {  	v4 =	vld.idx.msk [tilespmem:v4+s5+$0x0], $0xffff  }
0xf3: {  	v5 =	vld.idx.msk [tilespmem:v5+s5+$0x0], $0xffff  }
0xf4: {  	v6 =	vld.idx.msk [tilespmem:v6+s5+$0x0], $0xffff  }
0xf5: {  	v7 =	vld.idx.msk [tilespmem:v7+s5+$0x0], $0xffff;
	v2 =	vmul.f32 v2, v1  }
0xf6: {  	v8 =	vld.idx.msk [tilespmem:v8+s5+$0x0], $0xffff;
	v3 =	vmul.f32 v3, v1  }
0xf7: {  	v9 =	vld.idx.msk [tilespmem:v9+s5+$0x0], $0xffff;
	v4 =	vmul.f32 v4, v1;
	v2 =	vadd.f32 v2, v0  }
0xf8: {  	s28 =	simm.s32 $0x1D740;
	v17 =	vld [tilespmem:s31+$0xFFFFFF90];
	v5 =	vmul.f32 v5, v1;
	v3 =	vadd.f32 v3, v0  }
0xf9: {  	v10 =	vld.idx.msk [tilespmem:v10+s5+$0x0], $0xffff;
	[tilespmem:s28+$0x30] =	vst v2;
	v2 =	vadd.f32 v4, v0;
	v4 =	vmul.f32 v6, v1  }
0xfa: {  	v11 =	vld.idx.msk [tilespmem:v11+s5+$0x0], $0xffff;
	[tilespmem:s28+$0xFFFFFFD0] =	vst v3;
	v3 =	vadd.f32 v5, v0;
	v5 =	vmul.f32 v7, v1  }
0xfb: {  	v7 =	vld.idx.msk [tilespmem:v12+s5+$0x0], $0xffff;
	[tilespmem:s28+$0xFFFFFFE0] =	vst v2;
	v2 =	vadd.f32 v4, v0;
	v4 =	vmul.f32 v8, v1  }
0xfc: {  	v6 =	vld.idx.msk [tilespmem:v13+s5+$0x0], $0xffff;
	[tilespmem:s28+$0xFFFFFFF0] =	vst v3;
	v3 =	vmul.f32 v9, v1;
	v8 =	vadd.f32 v5, v0  }
0xfd: {  	v5 =	vld.idx.msk [tilespmem:v14+s5+$0x0], $0xffff;
	[tilespmem:s28+$0x0] =	vst v2;
	v2 =	vadd.f32 v4, v0  }
0xfe: {  	v3 =	vadd.f32 v3, v0;
	[tilespmem:s28+$0x10] =	vst v8;
	v4 =	vld.idx.msk [tilespmem:v15+s5+$0x0], $0xffff  }
0xff: {  	v8 =	vmul.f32 v10, v1;
	[tilespmem:s28+$0x20] =	vst v2;
	v2 =	vld.idx.msk [tilespmem:v16+s5+$0x0], $0xffff  }
0x100: {  	s29 =	simm.s32 $0x8;
	s0 =	simm.s32 $0x1B870;
	v9 =	vmul.f32 v11, v1;
	[tilespmem:s28+$0xFFFFFFC0] =	vst v3;
	v3 =	vld.idx.msk [tilespmem:v17+s5+$0x0], $0xffff  }
.LBB2_9:
0x101: {  	v10 =	vld [tilespmem:s0+$0x0];
	s29 =	sadd.s32 $0x8, s29;
	v7 =	vmul.f32 v7, v1;
	v8 =	vadd.f32 v8, v0  }
0x102: {  	v6 =	vmul.f32 v6, v1;
	s28 =	sadd.s32 $0x80, s28;
	v11 =	vld [tilespmem:s0+$0xFFFFFFA0];
	p0 =	slt.u32 s29, $0xF8;
	v9 =	vadd.f32 v9, v0  }
0x103: {  	v5 =	vmul.f32 v5, v1;
	v12 =	vld [tilespmem:s0+$0xFFFFFFB0];
	v7 =	vadd.f32 v7, v0;
	[tilespmem:s28+$0x30] =	vst v8  }
0x104: {  	v6 =	vadd.f32 v6, v0;
	v4 =	vmul.f32 v4, v1;
	v8 =	vld [tilespmem:s0+$0xFFFFFFC0];
	[tilespmem:s28+$0xFFFFFFD0] =	vst v9  }
0x105: {  	v5 =	vadd.f32 v5, v0;
	v2 =	vmul.f32 v2, v1;
	v9 =	vld [tilespmem:s0+$0xFFFFFFD0];
	[tilespmem:s28+$0xFFFFFFE0] =	vst v7  }
0x106: {  	v3 =	vmul.f32 v3, v1;
	v4 =	vadd.f32 v4, v0;
	v13 =	vld [tilespmem:s0+$0xFFFFFFE0];
	[tilespmem:s28+$0xFFFFFFF0] =	vst v6  }
0x107: {  	v2 =	vadd.f32 v2, v0;
	v14 =	vld [tilespmem:s0+$0xFFFFFFF0];
	[tilespmem:s28+$0x0] =	vst v5  }
0x108: {  	v3 =	vadd.f32 v3, v0;
	v15 =	vld [tilespmem:s0+$0xFFFFFF90];
	[tilespmem:s28+$0x10] =	vst v4  }
0x109: {  	v10 =	vld.idx.msk [tilespmem:v10+s5+$0x0], $0xffff;
	[tilespmem:s28+$0x20] =	vst v2  }
0x10a: {  	v11 =	vld.idx.msk [tilespmem:v11+s5+$0x0], $0xffff;
	[tilespmem:s28+$0xFFFFFFC0] =	vst v3  }
0x10b: {  	v7 =	vld.idx.msk [tilespmem:v12+s5+$0x0], $0xffff  }
.Ltmp3:
0x10c: {  	v6 =	vld.idx.msk [tilespmem:v8+s5+$0x0], $0xffff;
	(pc) =	sbr.rel @p0 .LBB2_9-.Ltmp3, $4  }
0x10d: {  	v5 =	vld.idx.msk [tilespmem:v9+s5+$0x0], $0xffff  }
0x10e: {  	v4 =	vld.idx.msk [tilespmem:v13+s5+$0x0], $0xffff  }
0x10f: {  	v8 =	vmul.f32 v10, v1;
	v2 =	vld.idx.msk [tilespmem:v14+s5+$0x0], $0xffff  }
0x110: {  	s0 =	sadd.s32 $0x80, s0;
	v9 =	vmul.f32 v11, v1;
	v3 =	vld.idx.msk [tilespmem:v15+s5+$0x0], $0xffff  }
0x111: {  	v7 =	vmul.f32 v7, v1;
	v8 =	vadd.f32 v8, v0  }
0x112: {  	v6 =	vmul.f32 v6, v1;
	s0 =	sadd.s32 $0x80, s28;
	v9 =	vadd.f32 v9, v0  }
0x113: {  	v5 =	vmul.f32 v5, v1;
	v7 =	vadd.f32 v7, v0;
	[tilespmem:s0+$0x30] =	vst v8  }
0x114: {  	v6 =	vadd.f32 v6, v0;
	v4 =	vmul.f32 v4, v1;
	[tilespmem:s0+$0xFFFFFFD0] =	vst v9  }
0x115: {  	v5 =	vadd.f32 v5, v0;
	v2 =	vmul.f32 v2, v1;
	[tilespmem:s0+$0xFFFFFFE0] =	vst v7  }
0x116: {  	v61 =	vmul.f32 v3, v1;
	[tilespmem:s0+$0xFFFFFFF0] =	vst v6;
	v62 =	vadd.f32 v4, v0  }
0x117: {  	[tilespmem:s0+$0x0] =	vst v5;
	v2 =	vadd.f32 v2, v0  }
0x118: {  	v63 =	vadd.f32 v61, v0;
	[tilespmem:s0+$0x10] =	vst v62  }
0x119: {  	[tilespmem:s0+$0x20] =	vst v2  }
0x11a: {  	s31 =	sadd.s32 s26, s11;
	s25 =	sadd.s32 $0x1, s25;
	[tilespmem:s0+$0xFFFFFFC0] =	vst v63  }
0x11b: {  	[hbm4b:s31+s16] =	stream.strided.scatter [tilespmem:s22], [sflag:$0x3], $0x1000, s17, s16, $0x38;
	[tilespmem:$0x1EB00] =	vst v63  }
0x11c: {  	p0 =	sne.s32 s25, $0xD;
	_ =	swait.ge [sflag:s23], $0x1000  }
.Ltmp4:
0x11d: {  	[sflag:s23] =	ssyncset.done $0x0;
	(pc) =	sbr.rel @p0 .LBB2_2-.Ltmp4, $4  }
0x11e: {  	[sflag:s23] =	ssyncadd.s32 $0xFFFFF000  }
0x11f: {  	_ =	swait.ge [sflag:s23], $0x1000  }
0x120: {  	[sflag:s23] =	ssyncset.done $0x0  }
0x121: {  	[sflag:s23] =	ssyncadd.s32 $0xFFFFF000  }
0x122: {  	s24 =	sadd.s32 $0x1, s24  }
0x123: {  	p0 =	sne.s32 s24, s12  }
.Ltmp5:
0x124: {  	_ = 	snop;
	(pc) =	sbr.rel @p0 .LBB2_1-.Ltmp5, $1  }
0x125: {  	_ =	sdelay $0x3  }
0x126: {  	_ =	sfence.sel $0x180000  }
0x127: {  	[bflag:$0x0] =	sbarrier.arrive $0xFFFF  }
0x128: {  	_ =	strace $0x90000047  }
0x129: {  	s0 =	stileid.u32;
	[bflag:$0x2] =	sbarrier.arrive $0xFFFF  }
0x12a: {  	p0 =	sne.s32 s0, $0x0;
	s0 =	rddreg [dreg:$0x4]  }
0x12b: {  	s0 =	sadd.s32 @!p0 $0x100000, s0  }
0x12c: {  	[sflag:s0] =	ssyncadd.tile.s32 @!p0 $0x1;
	_ =	shalt  }
.Lfunc_end2:
_tile_overlayer_lowered:
.L_overlay_start_2:
0x12d: {  	(tag) =	ssettag $0x2  }
0x12e: {  	s0 =	rddreg [dreg:$0x0];
	s2 =	stileid.u32  }
0x12f: {  	s1 =	rddreg [dreg:$0x1];
	p0 =	sne.s32 s2, $0x0  }
0x130: {  	s3 =	rddreg [dreg:$0x2];
	[bflag:$0x3] =	sbarrier.arrive $0xFFFF;
	s2 =	simm.s32 @!p0 $0x1C04  }
0x131: {  	[timem:s3], [sflag:s2] =	dma.local @!p0 [hbm:s0], s1  }
0x132: {  	s0 =	simm.s32 @!p0 $0x4  }
0x133: {  	_ =	swait.ge @!p0 [sflag:s0], s1  }
0x134: {  	s1 =	ssub.s32 @!p0 $0x0, s1;
	[sflag:s0] =	ssyncset.done @!p0 $0x0  }
0x135: {  	[sflag:s0] =	ssyncadd.s32 @!p0 s1  }
0x136: {  	[bflag:$0x3] =	sbarrier.arrive $0xFFFF  }
0x137: {  	_ =	shalt  }

</sc_bundles>
